<compile_context>
chip_gen: v7x
topology: tpu7x:2x2x1
jax: 0.10.2.dev20260603
libtpu: 0.0.44.dev20260713+nightly
codegen_flags: <defaults>
</compile_context>

<pallas_src>
import functools

import jax
import jax.numpy as jnp
from jax import lax
from jax.experimental import pallas as pl
from jax.experimental.pallas import tpu as pltpu
from jax.experimental.pallas import tpu_sc as plsc

CLS = 100000
FEAT = 64
BATCH_N = 16384

_NC = 2
_NS = 16
_NW = _NC * _NS
_FPW = FEAT // _NW
_L = 16
_CHUNK = BATCH_N // 4
_GRP = 4
_ITERS = _CHUNK // (_L * _GRP)


@functools.partial(
    pl.kernel,
    out_type=jax.ShapeDtypeStruct((_NW * _L,), jnp.float32),
    mesh=plsc.VectorSubcoreMesh(
        core_axis_name="c", subcore_axis_name="s",
        num_cores=_NC, num_subcores=_NS,
    ),
    scratch_types=[
        pltpu.VMEM((CLS,), jnp.float32),
        pltpu.VMEM((BATCH_N,), jnp.int32),
        pltpu.VMEM((2, _CHUNK), jnp.float32),
        pltpu.VMEM((_L,), jnp.float32),
        pltpu.VMEM_SHARED((BATCH_N,), jnp.int32),
        pltpu.SemaphoreType.DMA,
        pltpu.SemaphoreType.DMA,
        pltpu.SemaphoreType.DMA,
    ],
    compiler_params=pltpu.CompilerParams(needs_layout_passes=False),
)
def _center_partials(xs_t_hbm, label_hbm, center_t_hbm, out_hbm,
                     row_v, lab_v, xs_v, acc_v, lab_sh, rsem, lsem, xsem):
    sid = lax.axis_index("s")
    wid = sid * _NC + lax.axis_index("c")
    f0 = wid * _FPW
    seg = BATCH_N // _NS

    lab_cp = pltpu.async_copy(
        label_hbm.at[pl.ds(sid * seg, seg)],
        lab_sh.at[pl.ds(sid * seg, seg)], lsem)
    row_cp = pltpu.async_copy(center_t_hbm.at[f0], row_v, rsem)
    xs_cps = [pltpu.async_copy(
        xs_t_hbm.at[f0, pl.ds(0, _CHUNK)], xs_v.at[0], xsem), None]
    lab_cp.wait()
    plsc.subcore_barrier()
    pltpu.sync_copy(lab_sh, lab_v)

    zeros = jnp.zeros((_L,), jnp.float32)
    accs = (zeros,) * _GRP
    for fi in range(_FPW):
        f = f0 + fi
        row_cp.wait()
        for c in range(4):
            nf, nc = (f, c + 1) if c < 3 else (f + 1, 0)
            buf, nbuf = c % 2, 1 - (c % 2)
            if not (fi == _FPW - 1 and c == 3):
                xs_cps[nbuf] = pltpu.async_copy(
                    xs_t_hbm.at[nf, pl.ds(nc * _CHUNK, _CHUNK)],
                    xs_v.at[nbuf], xsem)
            xs_cps[buf].wait()
            lab_base = c * _CHUNK

            def body(i, accs, lab_base=lab_base, buf=buf):
                out = []
                for g in range(_GRP):
                    o = i * (_L * _GRP) + g * _L
                    idx = lab_v[pl.ds(lab_base + o, _L)]
                    gathered = plsc.load_gather(row_v, [idx])
                    d = xs_v[buf, pl.ds(o, _L)] - gathered
                    out.append(accs[g] + d * d)
                return tuple(out)

            accs = lax.fori_loop(0, _ITERS, body, accs)
        if fi + 1 < _FPW:
            row_cp = pltpu.async_copy(center_t_hbm.at[f + 1], row_v, rsem)

    acc_v[...] = (accs[0] + accs[1]) + (accs[2] + accs[3])
    pltpu.sync_copy(acc_v, out_hbm.at[pl.ds(wid * _L, _L)])


def _tc_reduce_body(p_ref, o_ref):
    o_ref[...] = (jnp.sum(p_ref[...]) * (2.0 / BATCH_N))[None, None]


def kernel(xs, label, center):
    partials = _center_partials(xs.T, label.astype(jnp.int32), center.T)
    loss = pl.pallas_call(
        _tc_reduce_body,
        out_shape=jax.ShapeDtypeStruct((1, 1), jnp.float32),
    )(partials)
    return loss.reshape((1,))

# --- scband reference (transcript-rebuilt; emitter-appended) ---
"""Pipeline reference for scband-center-loss-74594991997187 (READ-ONLY COPY).

The authoritative reference and input builder live on the scoring server;
editing this copy changes nothing except your own understanding.
"""

import jax, jax.numpy as jnp
import numpy as np

CLS_NUM = 100000
FEATURE_NUM = 64
BATCH = 16384

def setup_inputs(seed: int = 0) -> dict:
    key = jax.random.key(seed)
    k1, k2, k3 = jax.random.split(key, 3)
    xs = jax.random.normal(k1, (BATCH, FEATURE_NUM), dtype=jnp.float32)
    label = jax.random.randint(k2, (BATCH,), 0, CLS_NUM, dtype=jnp.int64 if jax.config.jax_enable_x64 else jnp.int32)
    center = jax.random.normal(k3, (CLS_NUM, FEATURE_NUM), dtype=jnp.float32)
    return {"xs": xs, "label": label, "center": center}

def reference(xs, label, center):
    batch_size = xs.shape[0]
    batch_size_tensor = jnp.full((1,), float(batch_size), dtype=xs.dtype)
    centers_batch = jnp.take(center, label.astype(jnp.int32), axis=0)
    loss = jnp.sum((xs - centers_batch) ** 2) / 0.5 / batch_size_tensor
    return loss

if __name__ == "__main__":
    import jax
    _d = setup_inputs()
    print(jax.jit(kernel)(*tuple(_d.values())))

</pallas_src>

<mosaic_0001>
#map = affine_map<(d0, d1) -> (0, 0)>
#map1 = affine_map<(d0, d1) -> (0)>
module attributes {stable_mosaic.version = 14 : i64} {
  func.func @_center_partials(%arg0: i32, %arg1: i32, %arg2: memref<64x16384xf32, #tpu.memory_space<hbm>>, %arg3: memref<16384xi32, #tpu.memory_space<hbm>>, %arg4: memref<64x100000xf32, #tpu.memory_space<hbm>>, %arg5: memref<512xf32, #tpu.memory_space<hbm>>, %arg6: memref<100000xf32, #tpu.memory_space<vmem>>, %arg7: memref<16384xi32, #tpu.memory_space<vmem>>, %arg8: memref<2x4096xf32, #tpu.memory_space<vmem>>, %arg9: memref<16xf32, #tpu.memory_space<vmem>>, %arg10: memref<16384xi32, #tpu.memory_space<vmem_shared>>, %arg11: memref<!tpu.dma_semaphore, #tpu.memory_space<semaphore_mem>>, %arg12: memref<!tpu.dma_semaphore, #tpu.memory_space<semaphore_mem>>, %arg13: memref<!tpu.dma_semaphore, #tpu.memory_space<semaphore_mem>>) attributes {dimension_semantics = [#tpu.dimension_semantics<core_parallel>, #tpu.dimension_semantics<subcore_parallel>], iteration_bounds = array<i64: 2, 16>, scalar_prefetch = 0 : i64, scratch_operands = 8 : i64, tpu.core_type = #tpu.core_type<sc_vector_subcore>, window_params = [{transform_indices = #map}, {transform_indices = #map1}, {transform_indices = #map}, {transform_indices = #map1}]} {
    %mul3A = arith.constant 2 : i32
    %mul3A_0 = arith.muli %arg1, %mul3A : i32
    %add3A = arith.addi %mul3A_0, %arg0 : i32
    %mul3A_1 = arith.constant 2 : i32
    %mul3A_2 = arith.muli %add3A, %mul3A_1 : i32
    %mul3A_3 = arith.constant 1024 : i32
    %mul3A_4 = arith.muli %arg1, %mul3A_3 : i32
    %mul3A_5 = arith.constant 1024 : i32
    %mul3A_6 = arith.muli %arg1, %mul3A_5 : i32
    %dma_start3A = tpu.memref_slice %arg10[%mul3A_6] : memref<16384xi32, #tpu.memory_space<vmem_shared>> -> memref<1024xi32, #tpu.memory_space<vmem_shared>>
    %dma_start3A_7 = tpu.memref_slice %arg3[%mul3A_4] : memref<16384xi32, #tpu.memory_space<hbm>> -> memref<1024xi32, #tpu.memory_space<hbm>>
    tpu.enqueue_dma source(%dma_start3A_7 : memref<1024xi32, #tpu.memory_space<hbm>>) target(%dma_start3A : memref<1024xi32, #tpu.memory_space<vmem_shared>>) target_semaphore(%arg12 : memref<!tpu.dma_semaphore, #tpu.memory_space<semaphore_mem>>)
    %dma_start3A_8 = arith.constant 0 : i32
    %dma_start3A_9 = tpu.memref_slice %arg4[%mul3A_2, %dma_start3A_8] : memref<64x100000xf32, #tpu.memory_space<hbm>> -> memref<1x100000xf32, #tpu.memory_space<hbm>>
    %dma_start3A_10 = tpu.memref_squeeze %dma_start3A_9 : memref<1x100000xf32, #tpu.memory_space<hbm>> -> memref<100000xf32, #tpu.memory_space<hbm>>
    %dma_start3A_11 = arith.constant 0 : i32
    %dma_start3A_12 = tpu.memref_slice %arg4[%mul3A_2, %dma_start3A_11] : memref<64x100000xf32, #tpu.memory_space<hbm>> -> memref<1x100000xf32, #tpu.memory_space<hbm>>
    %dma_start3A_13 = tpu.memref_squeeze %dma_start3A_12 : memref<1x100000xf32, #tpu.memory_space<hbm>> -> memref<100000xf32, #tpu.memory_space<hbm>>
    tpu.enqueue_dma source(%dma_start3A_13 : memref<100000xf32, #tpu.memory_space<hbm>>) target(%arg6 : memref<100000xf32, #tpu.memory_space<vmem>>) target_semaphore(%arg11 : memref<!tpu.dma_semaphore, #tpu.memory_space<semaphore_mem>>)
    %dma_start3A_14 = arith.constant 0 : i32
    %dma_start3A_15 = arith.constant 0 : i32
    %dma_start3A_16 = tpu.memref_slice %arg8[%dma_start3A_14, %dma_start3A_15] : memref<2x4096xf32, #tpu.memory_space<vmem>> -> memref<1x4096xf32, #tpu.memory_space<vmem>>
    %dma_start3A_17 = tpu.memref_squeeze %dma_start3A_16 : memref<1x4096xf32, #tpu.memory_space<vmem>> -> memref<4096xf32, #tpu.memory_space<vmem>>
    %dma_start3A_18 = arith.constant 0 : i32
    %dma_start3A_19 = tpu.memref_slice %arg2[%mul3A_2, %dma_start3A_18] : memref<64x16384xf32, #tpu.memory_space<hbm>> -> memref<1x4096xf32, #tpu.memory_space<hbm>>
    %dma_start3A_20 = tpu.memref_squeeze %dma_start3A_19 : memref<1x4096xf32, #tpu.memory_space<hbm>> -> memref<4096xf32, #tpu.memory_space<hbm>>
    %dma_start3A_21 = arith.constant 0 : i32
    %dma_start3A_22 = tpu.memref_slice %arg8[%dma_start3A_14, %dma_start3A_21] : memref<2x4096xf32, #tpu.memory_space<vmem>> -> memref<1x4096xf32, #tpu.memory_space<vmem>>
    %dma_start3A_23 = tpu.memref_squeeze %dma_start3A_22 : memref<1x4096xf32, #tpu.memory_space<vmem>> -> memref<4096xf32, #tpu.memory_space<vmem>>
    %dma_start3A_24 = arith.constant 0 : i32
    %dma_start3A_25 = tpu.memref_slice %arg2[%mul3A_2, %dma_start3A_24] : memref<64x16384xf32, #tpu.memory_space<hbm>> -> memref<1x4096xf32, #tpu.memory_space<hbm>>
    %dma_start3A_26 = tpu.memref_squeeze %dma_start3A_25 : memref<1x4096xf32, #tpu.memory_space<hbm>> -> memref<4096xf32, #tpu.memory_space<hbm>>
    tpu.enqueue_dma source(%dma_start3A_26 : memref<4096xf32, #tpu.memory_space<hbm>>) target(%dma_start3A_23 : memref<4096xf32, #tpu.memory_space<vmem>>) target_semaphore(%arg13 : memref<!tpu.dma_semaphore, #tpu.memory_space<semaphore_mem>>)
    %dma_wait3A = tpu.memref_slice %arg10[%mul3A_6] : memref<16384xi32, #tpu.memory_space<vmem_shared>> -> memref<1024xi32, #tpu.memory_space<vmem_shared>>
    %dma_wait3A_27 = tpu.memref_slice %arg3[%mul3A_4] : memref<16384xi32, #tpu.memory_space<hbm>> -> memref<1024xi32, #tpu.memory_space<hbm>>
    tpu.wait_dma2 semaphore(%arg12 : memref<!tpu.dma_semaphore, #tpu.memory_space<semaphore_mem>>) src(%dma_wait3A_27 : memref<1024xi32, #tpu.memory_space<hbm>>) dst(%dma_wait3A : memref<1024xi32, #tpu.memory_space<vmem_shared>>)
    %barrier3A = arith.constant 0 : index
    tpu.barrier barrier_id(%barrier3A)
    "tpu.region"() ({
      %run_scoped3A = tpu.sem_alloc : memref<!tpu.dma_semaphore, #tpu.memory_space<semaphore_mem>>
      tpu.enqueue_dma source(%arg10 : memref<16384xi32, #tpu.memory_space<vmem_shared>>) target(%arg7 : memref<16384xi32, #tpu.memory_space<vmem>>) target_semaphore(%run_scoped3A : memref<!tpu.dma_semaphore, #tpu.memory_space<semaphore_mem>>)
      tpu.wait_dma2 semaphore(%run_scoped3A : memref<!tpu.dma_semaphore, #tpu.memory_space<semaphore_mem>>) src(%arg10 : memref<16384xi32, #tpu.memory_space<vmem_shared>>) dst(%arg7 : memref<16384xi32, #tpu.memory_space<vmem>>)
      tpu.yield
    }) : () -> ()
    %broadcast_in_dim3A = arith.constant 0.000000e+00 : f32
    %broadcast_in_dim3A_28 = vector.broadcast %broadcast_in_dim3A : f32 to vector<16xf32>
    %add3A_29 = arith.constant 0 : i32
    %add3A_30 = arith.addi %mul3A_2, %add3A_29 : i32
    %dma_wait3A_31 = arith.constant 0 : i32
    %dma_wait3A_32 = tpu.memref_slice %arg4[%mul3A_2, %dma_wait3A_31] : memref<64x100000xf32, #tpu.memory_space<hbm>> -> memref<1x100000xf32, #tpu.memory_space<hbm>>
    %dma_wait3A_33 = tpu.memref_squeeze %dma_wait3A_32 : memref<1x100000xf32, #tpu.memory_space<hbm>> -> memref<100000xf32, #tpu.memory_space<hbm>>
    %dma_wait3A_34 = arith.constant 0 : i32
    %dma_wait3A_35 = tpu.memref_slice %arg4[%mul3A_2, %dma_wait3A_34] : memref<64x100000xf32, #tpu.memory_space<hbm>> -> memref<1x100000xf32, #tpu.memory_space<hbm>>
    %dma_wait3A_36 = tpu.memref_squeeze %dma_wait3A_35 : memref<1x100000xf32, #tpu.memory_space<hbm>> -> memref<100000xf32, #tpu.memory_space<hbm>>
    tpu.wait_dma2 semaphore(%arg11 : memref<!tpu.dma_semaphore, #tpu.memory_space<semaphore_mem>>) src(%dma_wait3A_36 : memref<100000xf32, #tpu.memory_space<hbm>>) dst(%arg6 : memref<100000xf32, #tpu.memory_space<vmem>>)
    %dma_start3A_37 = arith.constant 1 : i32
    %dma_start3A_38 = arith.constant 0 : i32
    %dma_start3A_39 = tpu.memref_slice %arg8[%dma_start3A_37, %dma_start3A_38] : memref<2x4096xf32, #tpu.memory_space<vmem>> -> memref<1x4096xf32, #tpu.memory_space<vmem>>
    %dma_start3A_40 = tpu.memref_squeeze %dma_start3A_39 : memref<1x4096xf32, #tpu.memory_space<vmem>> -> memref<4096xf32, #tpu.memory_space<vmem>>
    %dma_start3A_41 = arith.constant 4096 : i32
    %dma_start3A_42 = tpu.memref_slice %arg2[%add3A_30, %dma_start3A_41] : memref<64x16384xf32, #tpu.memory_space<hbm>> -> memref<1x4096xf32, #tpu.memory_space<hbm>>
    %dma_start3A_43 = tpu.memref_squeeze %dma_start3A_42 : memref<1x4096xf32, #tpu.memory_space<hbm>> -> memref<4096xf32, #tpu.memory_space<hbm>>
    %dma_start3A_44 = arith.constant 0 : i32
    %dma_start3A_45 = tpu.memref_slice %arg8[%dma_start3A_37, %dma_start3A_44] : memref<2x4096xf32, #tpu.memory_space<vmem>> -> memref<1x4096xf32, #tpu.memory_space<vmem>>
    %dma_start3A_46 = tpu.memref_squeeze %dma_start3A_45 : memref<1x4096xf32, #tpu.memory_space<vmem>> -> memref<4096xf32, #tpu.memory_space<vmem>>
    %dma_start3A_47 = arith.constant 4096 : i32
    %dma_start3A_48 = tpu.memref_slice %arg2[%add3A_30, %dma_start3A_47] : memref<64x16384xf32, #tpu.memory_space<hbm>> -> memref<1x4096xf32, #tpu.memory_space<hbm>>
    %dma_start3A_49 = tpu.memref_squeeze %dma_start3A_48 : memref<1x4096xf32, #tpu.memory_space<hbm>> -> memref<4096xf32, #tpu.memory_space<hbm>>
    tpu.enqueue_dma source(%dma_start3A_49 : memref<4096xf32, #tpu.memory_space<hbm>>) target(%dma_start3A_46 : memref<4096xf32, #tpu.memory_space<vmem>>) target_semaphore(%arg13 : memref<!tpu.dma_semaphore, #tpu.memory_space<semaphore_mem>>)
    %dma_wait3A_50 = arith.constant 0 : i32
    %dma_wait3A_51 = arith.constant 0 : i32
    %dma_wait3A_52 = tpu.memref_slice %arg8[%dma_wait3A_50, %dma_wait3A_51] : memref<2x4096xf32, #tpu.memory_space<vmem>> -> memref<1x4096xf32, #tpu.memory_space<vmem>>
    %dma_wait3A_53 = tpu.memref_squeeze %dma_wait3A_52 : memref<1x4096xf32, #tpu.memory_space<vmem>> -> memref<4096xf32, #tpu.memory_space<vmem>>
    %dma_wait3A_54 = arith.constant 0 : i32
    %dma_wait3A_55 = tpu.memref_slice %arg2[%mul3A_2, %dma_wait3A_54] : memref<64x16384xf32, #tpu.memory_space<hbm>> -> memref<1x4096xf32, #tpu.memory_space<hbm>>
    %dma_wait3A_56 = tpu.memref_squeeze %dma_wait3A_55 : memref<1x4096xf32, #tpu.memory_space<hbm>> -> memref<4096xf32, #tpu.memory_space<hbm>>
    %dma_wait3A_57 = arith.constant 0 : i32
    %dma_wait3A_58 = tpu.memref_slice %arg8[%dma_wait3A_50, %dma_wait3A_57] : memref<2x4096xf32, #tpu.memory_space<vmem>> -> memref<1x4096xf32, #tpu.memory_space<vmem>>
    %dma_wait3A_59 = tpu.memref_squeeze %dma_wait3A_58 : memref<1x4096xf32, #tpu.memory_space<vmem>> -> memref<4096xf32, #tpu.memory_space<vmem>>
    %dma_wait3A_60 = arith.constant 0 : i32
    %dma_wait3A_61 = tpu.memref_slice %arg2[%mul3A_2, %dma_wait3A_60] : memref<64x16384xf32, #tpu.memory_space<hbm>> -> memref<1x4096xf32, #tpu.memory_space<hbm>>
    %dma_wait3A_62 = tpu.memref_squeeze %dma_wait3A_61 : memref<1x4096xf32, #tpu.memory_space<hbm>> -> memref<4096xf32, #tpu.memory_space<hbm>>
    tpu.wait_dma2 semaphore(%arg13 : memref<!tpu.dma_semaphore, #tpu.memory_space<semaphore_mem>>) src(%dma_wait3A_62 : memref<4096xf32, #tpu.memory_space<hbm>>) dst(%dma_wait3A_59 : memref<4096xf32, #tpu.memory_space<vmem>>)
    %scan3A = arith.constant 0 : i32
    %scan3A_63 = arith.constant 64 : i32
    %scan3A_64 = arith.addi %scan3A, %scan3A_63 : i32
    %scan3A_65 = arith.constant 1 : i32
    %scan3A_66:4 = scf.for %scan3A_305 = %scan3A to %scan3A_64 step %scan3A_65 iter_args(%scan3A_306 = %broadcast_in_dim3A_28, %scan3A_307 = %broadcast_in_dim3A_28, %scan3A_308 = %broadcast_in_dim3A_28, %scan3A_309 = %broadcast_in_dim3A_28) -> (vector<16xf32>, vector<16xf32>, vector<16xf32>, vector<16xf32>)  : i32 {
      %mul3A_310 = arith.constant 64 : i32
      %mul3A_311 = arith.muli %scan3A_305, %mul3A_310 : i32
      %add3A_312 = arith.constant 0 : i32
      %add3A_313 = arith.addi %mul3A_311, %add3A_312 : i32
      %add3A_314 = arith.constant 0 : i32
      %add3A_315 = arith.addi %add3A_314, %add3A_313 : i32
      %get3A = arith.index_cast %add3A_315 : i32 to index
      %get3A_316 = tpu.vector_load %arg7[%get3A] {strides = array<i32>} : memref<16384xi32, #tpu.memory_space<vmem>>, vector<16xi32>,
      %gather3A = tpu.vector_load_idx %arg6[%get3A_316] : memref<100000xf32, #tpu.memory_space<vmem>>[vector<16xi32>], vector<16xf32>,
      %get3A_317 = arith.constant 0 : i32
      %get3A_318 = arith.index_cast %get3A_317 : i32 to index
      %get3A_319 = arith.index_cast %add3A_313 : i32 to index
      %get3A_320 = tpu.vector_load %arg8[%get3A_318, %get3A_319] {strides = array<i32>} : memref<2x4096xf32, #tpu.memory_space<vmem>>, vector<16xf32>,
      %sub3A = arith.subf %get3A_320, %gather3A : vector<16xf32>
      %mul3A_321 = arith.mulf %sub3A, %sub3A : vector<16xf32>
      %add3A_322 = arith.addf %scan3A_306, %mul3A_321 : vector<16xf32>
      %mul3A_323 = arith.constant 64 : i32
      %mul3A_324 = arith.muli %scan3A_305, %mul3A_323 : i32
      %add3A_325 = arith.constant 16 : i32
      %add3A_326 = arith.addi %mul3A_324, %add3A_325 : i32
      %add3A_327 = arith.constant 0 : i32
      %add3A_328 = arith.addi %add3A_327, %add3A_326 : i32
      %get3A_329 = arith.index_cast %add3A_328 : i32 to index
      %get3A_330 = tpu.vector_load %arg7[%get3A_329] {strides = array<i32>} : memref<16384xi32, #tpu.memory_space<vmem>>, vector<16xi32>,
      %gather3A_331 = tpu.vector_load_idx %arg6[%get3A_330] : memref<100000xf32, #tpu.memory_space<vmem>>[vector<16xi32>], vector<16xf32>,
      %get3A_332 = arith.constant 0 : i32
      %get3A_333 = arith.index_cast %get3A_332 : i32 to index
      %get3A_334 = arith.index_cast %add3A_326 : i32 to index
      %get3A_335 = tpu.vector_load %arg8[%get3A_333, %get3A_334] {strides = array<i32>} : memref<2x4096xf32, #tpu.memory_space<vmem>>, vector<16xf32>,
      %sub3A_336 = arith.subf %get3A_335, %gather3A_331 : vector<16xf32>
      %mul3A_337 = arith.mulf %sub3A_336, %sub3A_336 : vector<16xf32>
      %add3A_338 = arith.addf %scan3A_307, %mul3A_337 : vector<16xf32>
      %mul3A_339 = arith.constant 64 : i32
      %mul3A_340 = arith.muli %scan3A_305, %mul3A_339 : i32
      %add3A_341 = arith.constant 32 : i32
      %add3A_342 = arith.addi %mul3A_340, %add3A_341 : i32
      %add3A_343 = arith.constant 0 : i32
      %add3A_344 = arith.addi %add3A_343, %add3A_342 : i32
      %get3A_345 = arith.index_cast %add3A_344 : i32 to index
      %get3A_346 = tpu.vector_load %arg7[%get3A_345] {strides = array<i32>} : memref<16384xi32, #tpu.memory_space<vmem>>, vector<16xi32>,
      %gather3A_347 = tpu.vector_load_idx %arg6[%get3A_346] : memref<100000xf32, #tpu.memory_space<vmem>>[vector<16xi32>], vector<16xf32>,
      %get3A_348 = arith.constant 0 : i32
      %get3A_349 = arith.index_cast %get3A_348 : i32 to index
      %get3A_350 = arith.index_cast %add3A_342 : i32 to index
      %get3A_351 = tpu.vector_load %arg8[%get3A_349, %get3A_350] {strides = array<i32>} : memref<2x4096xf32, #tpu.memory_space<vmem>>, vector<16xf32>,
      %sub3A_352 = arith.subf %get3A_351, %gather3A_347 : vector<16xf32>
      %mul3A_353 = arith.mulf %sub3A_352, %sub3A_352 : vector<16xf32>
      %add3A_354 = arith.addf %scan3A_308, %mul3A_353 : vector<16xf32>
      %mul3A_355 = arith.constant 64 : i32
      %mul3A_356 = arith.muli %scan3A_305, %mul3A_355 : i32
      %add3A_357 = arith.constant 48 : i32
      %add3A_358 = arith.addi %mul3A_356, %add3A_357 : i32
      %add3A_359 = arith.constant 0 : i32
      %add3A_360 = arith.addi %add3A_359, %add3A_358 : i32
      %get3A_361 = arith.index_cast %add3A_360 : i32 to index
      %get3A_362 = tpu.vector_load %arg7[%get3A_361] {strides = array<i32>} : memref<16384xi32, #tpu.memory_space<vmem>>, vector<16xi32>,
      %gather3A_363 = tpu.vector_load_idx %arg6[%get3A_362] : memref<100000xf32, #tpu.memory_space<vmem>>[vector<16xi32>], vector<16xf32>,
      %get3A_364 = arith.constant 0 : i32
      %get3A_365 = arith.index_cast %get3A_364 : i32 to index
      %get3A_366 = arith.index_cast %add3A_358 : i32 to index
      %get3A_367 = tpu.vector_load %arg8[%get3A_365, %get3A_366] {strides = array<i32>} : memref<2x4096xf32, #tpu.memory_space<vmem>>, vector<16xf32>,
      %sub3A_368 = arith.subf %get3A_367, %gather3A_363 : vector<16xf32>
      %mul3A_369 = arith.mulf %sub3A_368, %sub3A_368 : vector<16xf32>
      %add3A_370 = arith.addf %scan3A_309, %mul3A_369 : vector<16xf32>
      scf.yield %add3A_322, %add3A_338, %add3A_354, %add3A_370 : vector<16xf32>, vector<16xf32>, vector<16xf32>, vector<16xf32>
    }
    %scan3A_67 = arith.constant 64 : i32
    %dma_start3A_68 = arith.constant 0 : i32
    %dma_start3A_69 = arith.constant 0 : i32
    %dma_start3A_70 = tpu.memref_slice %arg8[%dma_start3A_68, %dma_start3A_69] : memref<2x4096xf32, #tpu.memory_space<vmem>> -> memref<1x4096xf32, #tpu.memory_space<vmem>>
    %dma_start3A_71 = tpu.memref_squeeze %dma_start3A_70 : memref<1x4096xf32, #tpu.memory_space<vmem>> -> memref<4096xf32, #tpu.memory_space<vmem>>
    %dma_start3A_72 = arith.constant 8192 : i32
    %dma_start3A_73 = tpu.memref_slice %arg2[%add3A_30, %dma_start3A_72] : memref<64x16384xf32, #tpu.memory_space<hbm>> -> memref<1x4096xf32, #tpu.memory_space<hbm>>
    %dma_start3A_74 = tpu.memref_squeeze %dma_start3A_73 : memref<1x4096xf32, #tpu.memory_space<hbm>> -> memref<4096xf32, #tpu.memory_space<hbm>>
    %dma_start3A_75 = arith.constant 0 : i32
    %dma_start3A_76 = tpu.memref_slice %arg8[%dma_start3A_68, %dma_start3A_75] : memref<2x4096xf32, #tpu.memory_space<vmem>> -> memref<1x4096xf32, #tpu.memory_space<vmem>>
    %dma_start3A_77 = tpu.memref_squeeze %dma_start3A_76 : memref<1x4096xf32, #tpu.memory_space<vmem>> -> memref<4096xf32, #tpu.memory_space<vmem>>
    %dma_start3A_78 = arith.constant 8192 : i32
    %dma_start3A_79 = tpu.memref_slice %arg2[%add3A_30, %dma_start3A_78] : memref<64x16384xf32, #tpu.memory_space<hbm>> -> memref<1x4096xf32, #tpu.memory_space<hbm>>
    %dma_start3A_80 = tpu.memref_squeeze %dma_start3A_79 : memref<1x4096xf32, #tpu.memory_space<hbm>> -> memref<4096xf32, #tpu.memory_space<hbm>>
    tpu.enqueue_dma source(%dma_start3A_80 : memref<4096xf32, #tpu.memory_space<hbm>>) target(%dma_start3A_77 : memref<4096xf32, #tpu.memory_space<vmem>>) target_semaphore(%arg13 : memref<!tpu.dma_semaphore, #tpu.memory_space<semaphore_mem>>)
    %dma_wait3A_81 = arith.constant 1 : i32
    %dma_wait3A_82 = arith.constant 0 : i32
    %dma_wait3A_83 = tpu.memref_slice %arg8[%dma_wait3A_81, %dma_wait3A_82] : memref<2x4096xf32, #tpu.memory_space<vmem>> -> memref<1x4096xf32, #tpu.memory_space<vmem>>
    %dma_wait3A_84 = tpu.memref_squeeze %dma_wait3A_83 : memref<1x4096xf32, #tpu.memory_space<vmem>> -> memref<4096xf32, #tpu.memory_space<vmem>>
    %dma_wait3A_85 = arith.constant 4096 : i32
    %dma_wait3A_86 = tpu.memref_slice %arg2[%add3A_30, %dma_wait3A_85] : memref<64x16384xf32, #tpu.memory_space<hbm>> -> memref<1x4096xf32, #tpu.memory_space<hbm>>
    %dma_wait3A_87 = tpu.memref_squeeze %dma_wait3A_86 : memref<1x4096xf32, #tpu.memory_space<hbm>> -> memref<4096xf32, #tpu.memory_space<hbm>>
    %dma_wait3A_88 = arith.constant 0 : i32
    %dma_wait3A_89 = tpu.memref_slice %arg8[%dma_wait3A_81, %dma_wait3A_88] : memref<2x4096xf32, #tpu.memory_space<vmem>> -> memref<1x4096xf32, #tpu.memory_space<vmem>>
    %dma_wait3A_90 = tpu.memref_squeeze %dma_wait3A_89 : memref<1x4096xf32, #tpu.memory_space<vmem>> -> memref<4096xf32, #tpu.memory_space<vmem>>
    %dma_wait3A_91 = arith.constant 4096 : i32
    %dma_wait3A_92 = tpu.memref_slice %arg2[%add3A_30, %dma_wait3A_91] : memref<64x16384xf32, #tpu.memory_space<hbm>> -> memref<1x4096xf32, #tpu.memory_space<hbm>>
    %dma_wait3A_93 = tpu.memref_squeeze %dma_wait3A_92 : memref<1x4096xf32, #tpu.memory_space<hbm>> -> memref<4096xf32, #tpu.memory_space<hbm>>
    tpu.wait_dma2 semaphore(%arg13 : memref<!tpu.dma_semaphore, #tpu.memory_space<semaphore_mem>>) src(%dma_wait3A_93 : memref<4096xf32, #tpu.memory_space<hbm>>) dst(%dma_wait3A_90 : memref<4096xf32, #tpu.memory_space<vmem>>)
    %scan3A_94 = arith.constant 0 : i32
    %scan3A_95 = arith.constant 64 : i32
    %scan3A_96 = arith.addi %scan3A_94, %scan3A_95 : i32
    %scan3A_97 = arith.constant 1 : i32
    %scan3A_98:4 = scf.for %scan3A_305 = %scan3A_94 to %scan3A_96 step %scan3A_97 iter_args(%scan3A_306 = %scan3A_66#0, %scan3A_307 = %scan3A_66#1, %scan3A_308 = %scan3A_66#2, %scan3A_309 = %scan3A_66#3) -> (vector<16xf32>, vector<16xf32>, vector<16xf32>, vector<16xf32>)  : i32 {
      %mul3A_310 = arith.constant 64 : i32
      %mul3A_311 = arith.muli %scan3A_305, %mul3A_310 : i32
      %add3A_312 = arith.constant 0 : i32
      %add3A_313 = arith.addi %mul3A_311, %add3A_312 : i32
      %add3A_314 = arith.constant 4096 : i32
      %add3A_315 = arith.addi %add3A_314, %add3A_313 : i32
      %get3A = arith.index_cast %add3A_315 : i32 to index
      %get3A_316 = tpu.vector_load %arg7[%get3A] {strides = array<i32>} : memref<16384xi32, #tpu.memory_space<vmem>>, vector<16xi32>,
      %gather3A = tpu.vector_load_idx %arg6[%get3A_316] : memref<100000xf32, #tpu.memory_space<vmem>>[vector<16xi32>], vector<16xf32>,
      %get3A_317 = arith.constant 1 : i32
      %get3A_318 = arith.index_cast %get3A_317 : i32 to index
      %get3A_319 = arith.index_cast %add3A_313 : i32 to index
      %get3A_320 = tpu.vector_load %arg8[%get3A_318, %get3A_319] {strides = array<i32>} : memref<2x4096xf32, #tpu.memory_space<vmem>>, vector<16xf32>,
      %sub3A = arith.subf %get3A_320, %gather3A : vector<16xf32>
      %mul3A_321 = arith.mulf %sub3A, %sub3A : vector<16xf32>
      %add3A_322 = arith.addf %scan3A_306, %mul3A_321 : vector<16xf32>
      %mul3A_323 = arith.constant 64 : i32
      %mul3A_324 = arith.muli %scan3A_305, %mul3A_323 : i32
      %add3A_325 = arith.constant 16 : i32
      %add3A_326 = arith.addi %mul3A_324, %add3A_325 : i32
      %add3A_327 = arith.constant 4096 : i32
      %add3A_328 = arith.addi %add3A_327, %add3A_326 : i32
      %get3A_329 = arith.index_cast %add3A_328 : i32 to index
      %get3A_330 = tpu.vector_load %arg7[%get3A_329] {strides = array<i32>} : memref<16384xi32, #tpu.memory_space<vmem>>, vector<16xi32>,
      %gather3A_331 = tpu.vector_load_idx %arg6[%get3A_330] : memref<100000xf32, #tpu.memory_space<vmem>>[vector<16xi32>], vector<16xf32>,
      %get3A_332 = arith.constant 1 : i32
      %get3A_333 = arith.index_cast %get3A_332 : i32 to index
      %get3A_334 = arith.index_cast %add3A_326 : i32 to index
      %get3A_335 = tpu.vector_load %arg8[%get3A_333, %get3A_334] {strides = array<i32>} : memref<2x4096xf32, #tpu.memory_space<vmem>>, vector<16xf32>,
      %sub3A_336 = arith.subf %get3A_335, %gather3A_331 : vector<16xf32>
      %mul3A_337 = arith.mulf %sub3A_336, %sub3A_336 : vector<16xf32>
      %add3A_338 = arith.addf %scan3A_307, %mul3A_337 : vector<16xf32>
      %mul3A_339 = arith.constant 64 : i32
      %mul3A_340 = arith.muli %scan3A_305, %mul3A_339 : i32
      %add3A_341 = arith.constant 32 : i32
      %add3A_342 = arith.addi %mul3A_340, %add3A_341 : i32
      %add3A_343 = arith.constant 4096 : i32
      %add3A_344 = arith.addi %add3A_343, %add3A_342 : i32
      %get3A_345 = arith.index_cast %add3A_344 : i32 to index
      %get3A_346 = tpu.vector_load %arg7[%get3A_345] {strides = array<i32>} : memref<16384xi32, #tpu.memory_space<vmem>>, vector<16xi32>,
      %gather3A_347 = tpu.vector_load_idx %arg6[%get3A_346] : memref<100000xf32, #tpu.memory_space<vmem>>[vector<16xi32>], vector<16xf32>,
      %get3A_348 = arith.constant 1 : i32
      %get3A_349 = arith.index_cast %get3A_348 : i32 to index
      %get3A_350 = arith.index_cast %add3A_342 : i32 to index
      %get3A_351 = tpu.vector_load %arg8[%get3A_349, %get3A_350] {strides = array<i32>} : memref<2x4096xf32, #tpu.memory_space<vmem>>, vector<16xf32>,
      %sub3A_352 = arith.subf %get3A_351, %gather3A_347 : vector<16xf32>
      %mul3A_353 = arith.mulf %sub3A_352, %sub3A_352 : vector<16xf32>
      %add3A_354 = arith.addf %scan3A_308, %mul3A_353 : vector<16xf32>
      %mul3A_355 = arith.constant 64 : i32
      %mul3A_356 = arith.muli %scan3A_305, %mul3A_355 : i32
      %add3A_357 = arith.constant 48 : i32
      %add3A_358 = arith.addi %mul3A_356, %add3A_357 : i32
      %add3A_359 = arith.constant 4096 : i32
      %add3A_360 = arith.addi %add3A_359, %add3A_358 : i32
      %get3A_361 = arith.index_cast %add3A_360 : i32 to index
      %get3A_362 = tpu.vector_load %arg7[%get3A_361] {strides = array<i32>} : memref<16384xi32, #tpu.memory_space<vmem>>, vector<16xi32>,
      %gather3A_363 = tpu.vector_load_idx %arg6[%get3A_362] : memref<100000xf32, #tpu.memory_space<vmem>>[vector<16xi32>], vector<16xf32>,
      %get3A_364 = arith.constant 1 : i32
      %get3A_365 = arith.index_cast %get3A_364 : i32 to index
      %get3A_366 = arith.index_cast %add3A_358 : i32 to index
      %get3A_367 = tpu.vector_load %arg8[%get3A_365, %get3A_366] {strides = array<i32>} : memref<2x4096xf32, #tpu.memory_space<vmem>>, vector<16xf32>,
      %sub3A_368 = arith.subf %get3A_367, %gather3A_363 : vector<16xf32>
      %mul3A_369 = arith.mulf %sub3A_368, %sub3A_368 : vector<16xf32>
      %add3A_370 = arith.addf %scan3A_309, %mul3A_369 : vector<16xf32>
      scf.yield %add3A_322, %add3A_338, %add3A_354, %add3A_370 : vector<16xf32>, vector<16xf32>, vector<16xf32>, vector<16xf32>
    }
    %scan3A_99 = arith.constant 64 : i32
    %dma_start3A_100 = arith.constant 1 : i32
    %dma_start3A_101 = arith.constant 0 : i32
    %dma_start3A_102 = tpu.memref_slice %arg8[%dma_start3A_100, %dma_start3A_101] : memref<2x4096xf32, #tpu.memory_space<vmem>> -> memref<1x4096xf32, #tpu.memory_space<vmem>>
    %dma_start3A_103 = tpu.memref_squeeze %dma_start3A_102 : memref<1x4096xf32, #tpu.memory_space<vmem>> -> memref<4096xf32, #tpu.memory_space<vmem>>
    %dma_start3A_104 = arith.constant 12288 : i32
    %dma_start3A_105 = tpu.memref_slice %arg2[%add3A_30, %dma_start3A_104] : memref<64x16384xf32, #tpu.memory_space<hbm>> -> memref<1x4096xf32, #tpu.memory_space<hbm>>
    %dma_start3A_106 = tpu.memref_squeeze %dma_start3A_105 : memref<1x4096xf32, #tpu.memory_space<hbm>> -> memref<4096xf32, #tpu.memory_space<hbm>>
    %dma_start3A_107 = arith.constant 0 : i32
    %dma_start3A_108 = tpu.memref_slice %arg8[%dma_start3A_100, %dma_start3A_107] : memref<2x4096xf32, #tpu.memory_space<vmem>> -> memref<1x4096xf32, #tpu.memory_space<vmem>>
    %dma_start3A_109 = tpu.memref_squeeze %dma_start3A_108 : memref<1x4096xf32, #tpu.memory_space<vmem>> -> memref<4096xf32, #tpu.memory_space<vmem>>
    %dma_start3A_110 = arith.constant 12288 : i32
    %dma_start3A_111 = tpu.memref_slice %arg2[%add3A_30, %dma_start3A_110] : memref<64x16384xf32, #tpu.memory_space<hbm>> -> memref<1x4096xf32, #tpu.memory_space<hbm>>
    %dma_start3A_112 = tpu.memref_squeeze %dma_start3A_111 : memref<1x4096xf32, #tpu.memory_space<hbm>> -> memref<4096xf32, #tpu.memory_space<hbm>>
    tpu.enqueue_dma source(%dma_start3A_112 : memref<4096xf32, #tpu.memory_space<hbm>>) target(%dma_start3A_109 : memref<4096xf32, #tpu.memory_space<vmem>>) target_semaphore(%arg13 : memref<!tpu.dma_semaphore, #tpu.memory_space<semaphore_mem>>)
    %dma_wait3A_113 = arith.constant 0 : i32
    %dma_wait3A_114 = arith.constant 0 : i32
    %dma_wait3A_115 = tpu.memref_slice %arg8[%dma_wait3A_113, %dma_wait3A_114] : memref<2x4096xf32, #tpu.memory_space<vmem>> -> memref<1x4096xf32, #tpu.memory_space<vmem>>
    %dma_wait3A_116 = tpu.memref_squeeze %dma_wait3A_115 : memref<1x4096xf32, #tpu.memory_space<vmem>> -> memref<4096xf32, #tpu.memory_space<vmem>>
    %dma_wait3A_117 = arith.constant 8192 : i32
    %dma_wait3A_118 = tpu.memref_slice %arg2[%add3A_30, %dma_wait3A_117] : memref<64x16384xf32, #tpu.memory_space<hbm>> -> memref<1x4096xf32, #tpu.memory_space<hbm>>
    %dma_wait3A_119 = tpu.memref_squeeze %dma_wait3A_118 : memref<1x4096xf32, #tpu.memory_space<hbm>> -> memref<4096xf32, #tpu.memory_space<hbm>>
    %dma_wait3A_120 = arith.constant 0 : i32
    %dma_wait3A_121 = tpu.memref_slice %arg8[%dma_wait3A_113, %dma_wait3A_120] : memref<2x4096xf32, #tpu.memory_space<vmem>> -> memref<1x4096xf32, #tpu.memory_space<vmem>>
    %dma_wait3A_122 = tpu.memref_squeeze %dma_wait3A_121 : memref<1x4096xf32, #tpu.memory_space<vmem>> -> memref<4096xf32, #tpu.memory_space<vmem>>
    %dma_wait3A_123 = arith.constant 8192 : i32
    %dma_wait3A_124 = tpu.memref_slice %arg2[%add3A_30, %dma_wait3A_123] : memref<64x16384xf32, #tpu.memory_space<hbm>> -> memref<1x4096xf32, #tpu.memory_space<hbm>>
    %dma_wait3A_125 = tpu.memref_squeeze %dma_wait3A_124 : memref<1x4096xf32, #tpu.memory_space<hbm>> -> memref<4096xf32, #tpu.memory_space<hbm>>
    tpu.wait_dma2 semaphore(%arg13 : memref<!tpu.dma_semaphore, #tpu.memory_space<semaphore_mem>>) src(%dma_wait3A_125 : memref<4096xf32, #tpu.memory_space<hbm>>) dst(%dma_wait3A_122 : memref<4096xf32, #tpu.memory_space<vmem>>)
    %scan3A_126 = arith.constant 0 : i32
    %scan3A_127 = arith.constant 64 : i32
    %scan3A_128 = arith.addi %scan3A_126, %scan3A_127 : i32
    %scan3A_129 = arith.constant 1 : i32
    %scan3A_130:4 = scf.for %scan3A_305 = %scan3A_126 to %scan3A_128 step %scan3A_129 iter_args(%scan3A_306 = %scan3A_98#0, %scan3A_307 = %scan3A_98#1, %scan3A_308 = %scan3A_98#2, %scan3A_309 = %scan3A_98#3) -> (vector<16xf32>, vector<16xf32>, vector<16xf32>, vector<16xf32>)  : i32 {
      %mul3A_310 = arith.constant 64 : i32
      %mul3A_311 = arith.muli %scan3A_305, %mul3A_310 : i32
      %add3A_312 = arith.constant 0 : i32
      %add3A_313 = arith.addi %mul3A_311, %add3A_312 : i32
      %add3A_314 = arith.constant 8192 : i32
      %add3A_315 = arith.addi %add3A_314, %add3A_313 : i32
      %get3A = arith.index_cast %add3A_315 : i32 to index
      %get3A_316 = tpu.vector_load %arg7[%get3A] {strides = array<i32>} : memref<16384xi32, #tpu.memory_space<vmem>>, vector<16xi32>,
      %gather3A = tpu.vector_load_idx %arg6[%get3A_316] : memref<100000xf32, #tpu.memory_space<vmem>>[vector<16xi32>], vector<16xf32>,
      %get3A_317 = arith.constant 0 : i32
      %get3A_318 = arith.index_cast %get3A_317 : i32 to index
      %get3A_319 = arith.index_cast %add3A_313 : i32 to index
      %get3A_320 = tpu.vector_load %arg8[%get3A_318, %get3A_319] {strides = array<i32>} : memref<2x4096xf32, #tpu.memory_space<vmem>>, vector<16xf32>,
      %sub3A = arith.subf %get3A_320, %gather3A : vector<16xf32>
      %mul3A_321 = arith.mulf %sub3A, %sub3A : vector<16xf32>
      %add3A_322 = arith.addf %scan3A_306, %mul3A_321 : vector<16xf32>
      %mul3A_323 = arith.constant 64 : i32
      %mul3A_324 = arith.muli %scan3A_305, %mul3A_323 : i32
      %add3A_325 = arith.constant 16 : i32
      %add3A_326 = arith.addi %mul3A_324, %add3A_325 : i32
      %add3A_327 = arith.constant 8192 : i32
      %add3A_328 = arith.addi %add3A_327, %add3A_326 : i32
      %get3A_329 = arith.index_cast %add3A_328 : i32 to index
      %get3A_330 = tpu.vector_load %arg7[%get3A_329] {strides = array<i32>} : memref<16384xi32, #tpu.memory_space<vmem>>, vector<16xi32>,
      %gather3A_331 = tpu.vector_load_idx %arg6[%get3A_330] : memref<100000xf32, #tpu.memory_space<vmem>>[vector<16xi32>], vector<16xf32>,
      %get3A_332 = arith.constant 0 : i32
      %get3A_333 = arith.index_cast %get3A_332 : i32 to index
      %get3A_334 = arith.index_cast %add3A_326 : i32 to index
      %get3A_335 = tpu.vector_load %arg8[%get3A_333, %get3A_334] {strides = array<i32>} : memref<2x4096xf32, #tpu.memory_space<vmem>>, vector<16xf32>,
      %sub3A_336 = arith.subf %get3A_335, %gather3A_331 : vector<16xf32>
      %mul3A_337 = arith.mulf %sub3A_336, %sub3A_336 : vector<16xf32>
      %add3A_338 = arith.addf %scan3A_307, %mul3A_337 : vector<16xf32>
      %mul3A_339 = arith.constant 64 : i32
      %mul3A_340 = arith.muli %scan3A_305, %mul3A_339 : i32
      %add3A_341 = arith.constant 32 : i32
      %add3A_342 = arith.addi %mul3A_340, %add3A_341 : i32
      %add3A_343 = arith.constant 8192 : i32
      %add3A_344 = arith.addi %add3A_343, %add3A_342 : i32
      %get3A_345 = arith.index_cast %add3A_344 : i32 to index
      %get3A_346 = tpu.vector_load %arg7[%get3A_345] {strides = array<i32>} : memref<16384xi32, #tpu.memory_space<vmem>>, vector<16xi32>,
      %gather3A_347 = tpu.vector_load_idx %arg6[%get3A_346] : memref<100000xf32, #tpu.memory_space<vmem>>[vector<16xi32>], vector<16xf32>,
      %get3A_348 = arith.constant 0 : i32
      %get3A_349 = arith.index_cast %get3A_348 : i32 to index
      %get3A_350 = arith.index_cast %add3A_342 : i32 to index
      %get3A_351 = tpu.vector_load %arg8[%get3A_349, %get3A_350] {strides = array<i32>} : memref<2x4096xf32, #tpu.memory_space<vmem>>, vector<16xf32>,
      %sub3A_352 = arith.subf %get3A_351, %gather3A_347 : vector<16xf32>
      %mul3A_353 = arith.mulf %sub3A_352, %sub3A_352 : vector<16xf32>
      %add3A_354 = arith.addf %scan3A_308, %mul3A_353 : vector<16xf32>
      %mul3A_355 = arith.constant 64 : i32
      %mul3A_356 = arith.muli %scan3A_305, %mul3A_355 : i32
      %add3A_357 = arith.constant 48 : i32
      %add3A_358 = arith.addi %mul3A_356, %add3A_357 : i32
      %add3A_359 = arith.constant 8192 : i32
      %add3A_360 = arith.addi %add3A_359, %add3A_358 : i32
      %get3A_361 = arith.index_cast %add3A_360 : i32 to index
      %get3A_362 = tpu.vector_load %arg7[%get3A_361] {strides = array<i32>} : memref<16384xi32, #tpu.memory_space<vmem>>, vector<16xi32>,
      %gather3A_363 = tpu.vector_load_idx %arg6[%get3A_362] : memref<100000xf32, #tpu.memory_space<vmem>>[vector<16xi32>], vector<16xf32>,
      %get3A_364 = arith.constant 0 : i32
      %get3A_365 = arith.index_cast %get3A_364 : i32 to index
      %get3A_366 = arith.index_cast %add3A_358 : i32 to index
      %get3A_367 = tpu.vector_load %arg8[%get3A_365, %get3A_366] {strides = array<i32>} : memref<2x4096xf32, #tpu.memory_space<vmem>>, vector<16xf32>,
      %sub3A_368 = arith.subf %get3A_367, %gather3A_363 : vector<16xf32>
      %mul3A_369 = arith.mulf %sub3A_368, %sub3A_368 : vector<16xf32>
      %add3A_370 = arith.addf %scan3A_309, %mul3A_369 : vector<16xf32>
      scf.yield %add3A_322, %add3A_338, %add3A_354, %add3A_370 : vector<16xf32>, vector<16xf32>, vector<16xf32>, vector<16xf32>
    }
    %scan3A_131 = arith.constant 64 : i32
    %add3A_132 = arith.constant 1 : i32
    %add3A_133 = arith.addi %add3A_30, %add3A_132 : i32
    %dma_start3A_134 = arith.constant 0 : i32
    %dma_start3A_135 = arith.constant 0 : i32
    %dma_start3A_136 = tpu.memref_slice %arg8[%dma_start3A_134, %dma_start3A_135] : memref<2x4096xf32, #tpu.memory_space<vmem>> -> memref<1x4096xf32, #tpu.memory_space<vmem>>
    %dma_start3A_137 = tpu.memref_squeeze %dma_start3A_136 : memref<1x4096xf32, #tpu.memory_space<vmem>> -> memref<4096xf32, #tpu.memory_space<vmem>>
    %dma_start3A_138 = arith.constant 0 : i32
    %dma_start3A_139 = tpu.memref_slice %arg2[%add3A_133, %dma_start3A_138] : memref<64x16384xf32, #tpu.memory_space<hbm>> -> memref<1x4096xf32, #tpu.memory_space<hbm>>
    %dma_start3A_140 = tpu.memref_squeeze %dma_start3A_139 : memref<1x4096xf32, #tpu.memory_space<hbm>> -> memref<4096xf32, #tpu.memory_space<hbm>>
    %dma_start3A_141 = arith.constant 0 : i32
    %dma_start3A_142 = tpu.memref_slice %arg8[%dma_start3A_134, %dma_start3A_141] : memref<2x4096xf32, #tpu.memory_space<vmem>> -> memref<1x4096xf32, #tpu.memory_space<vmem>>
    %dma_start3A_143 = tpu.memref_squeeze %dma_start3A_142 : memref<1x4096xf32, #tpu.memory_space<vmem>> -> memref<4096xf32, #tpu.memory_space<vmem>>
    %dma_start3A_144 = arith.constant 0 : i32
    %dma_start3A_145 = tpu.memref_slice %arg2[%add3A_133, %dma_start3A_144] : memref<64x16384xf32, #tpu.memory_space<hbm>> -> memref<1x4096xf32, #tpu.memory_space<hbm>>
    %dma_start3A_146 = tpu.memref_squeeze %dma_start3A_145 : memref<1x4096xf32, #tpu.memory_space<hbm>> -> memref<4096xf32, #tpu.memory_space<hbm>>
    tpu.enqueue_dma source(%dma_start3A_146 : memref<4096xf32, #tpu.memory_space<hbm>>) target(%dma_start3A_143 : memref<4096xf32, #tpu.memory_space<vmem>>) target_semaphore(%arg13 : memref<!tpu.dma_semaphore, #tpu.memory_space<semaphore_mem>>)
    %dma_wait3A_147 = arith.constant 1 : i32
    %dma_wait3A_148 = arith.constant 0 : i32
    %dma_wait3A_149 = tpu.memref_slice %arg8[%dma_wait3A_147, %dma_wait3A_148] : memref<2x4096xf32, #tpu.memory_space<vmem>> -> memref<1x4096xf32, #tpu.memory_space<vmem>>
    %dma_wait3A_150 = tpu.memref_squeeze %dma_wait3A_149 : memref<1x4096xf32, #tpu.memory_space<vmem>> -> memref<4096xf32, #tpu.memory_space<vmem>>
    %dma_wait3A_151 = arith.constant 12288 : i32
    %dma_wait3A_152 = tpu.memref_slice %arg2[%add3A_30, %dma_wait3A_151] : memref<64x16384xf32, #tpu.memory_space<hbm>> -> memref<1x4096xf32, #tpu.memory_space<hbm>>
    %dma_wait3A_153 = tpu.memref_squeeze %dma_wait3A_152 : memref<1x4096xf32, #tpu.memory_space<hbm>> -> memref<4096xf32, #tpu.memory_space<hbm>>
    %dma_wait3A_154 = arith.constant 0 : i32
    %dma_wait3A_155 = tpu.memref_slice %arg8[%dma_wait3A_147, %dma_wait3A_154] : memref<2x4096xf32, #tpu.memory_space<vmem>> -> memref<1x4096xf32, #tpu.memory_space<vmem>>
    %dma_wait3A_156 = tpu.memref_squeeze %dma_wait3A_155 : memref<1x4096xf32, #tpu.memory_space<vmem>> -> memref<4096xf32, #tpu.memory_space<vmem>>
    %dma_wait3A_157 = arith.constant 12288 : i32
    %dma_wait3A_158 = tpu.memref_slice %arg2[%add3A_30, %dma_wait3A_157] : memref<64x16384xf32, #tpu.memory_space<hbm>> -> memref<1x4096xf32, #tpu.memory_space<hbm>>
    %dma_wait3A_159 = tpu.memref_squeeze %dma_wait3A_158 : memref<1x4096xf32, #tpu.memory_space<hbm>> -> memref<4096xf32, #tpu.memory_space<hbm>>
    tpu.wait_dma2 semaphore(%arg13 : memref<!tpu.dma_semaphore, #tpu.memory_space<semaphore_mem>>) src(%dma_wait3A_159 : memref<4096xf32, #tpu.memory_space<hbm>>) dst(%dma_wait3A_156 : memref<4096xf32, #tpu.memory_space<vmem>>)
    %scan3A_160 = arith.constant 0 : i32
    %scan3A_161 = arith.constant 64 : i32
    %scan3A_162 = arith.addi %scan3A_160, %scan3A_161 : i32
    %scan3A_163 = arith.constant 1 : i32
    %scan3A_164:4 = scf.for %scan3A_305 = %scan3A_160 to %scan3A_162 step %scan3A_163 iter_args(%scan3A_306 = %scan3A_130#0, %scan3A_307 = %scan3A_130#1, %scan3A_308 = %scan3A_130#2, %scan3A_309 = %scan3A_130#3) -> (vector<16xf32>, vector<16xf32>, vector<16xf32>, vector<16xf32>)  : i32 {
      %mul3A_310 = arith.constant 64 : i32
      %mul3A_311 = arith.muli %scan3A_305, %mul3A_310 : i32
      %add3A_312 = arith.constant 0 : i32
      %add3A_313 = arith.addi %mul3A_311, %add3A_312 : i32
      %add3A_314 = arith.constant 12288 : i32
      %add3A_315 = arith.addi %add3A_314, %add3A_313 : i32
      %get3A = arith.index_cast %add3A_315 : i32 to index
      %get3A_316 = tpu.vector_load %arg7[%get3A] {strides = array<i32>} : memref<16384xi32, #tpu.memory_space<vmem>>, vector<16xi32>,
      %gather3A = tpu.vector_load_idx %arg6[%get3A_316] : memref<100000xf32, #tpu.memory_space<vmem>>[vector<16xi32>], vector<16xf32>,
      %get3A_317 = arith.constant 1 : i32
      %get3A_318 = arith.index_cast %get3A_317 : i32 to index
      %get3A_319 = arith.index_cast %add3A_313 : i32 to index
      %get3A_320 = tpu.vector_load %arg8[%get3A_318, %get3A_319] {strides = array<i32>} : memref<2x4096xf32, #tpu.memory_space<vmem>>, vector<16xf32>,
      %sub3A = arith.subf %get3A_320, %gather3A : vector<16xf32>
      %mul3A_321 = arith.mulf %sub3A, %sub3A : vector<16xf32>
      %add3A_322 = arith.addf %scan3A_306, %mul3A_321 : vector<16xf32>
      %mul3A_323 = arith.constant 64 : i32
      %mul3A_324 = arith.muli %scan3A_305, %mul3A_323 : i32
      %add3A_325 = arith.constant 16 : i32
      %add3A_326 = arith.addi %mul3A_324, %add3A_325 : i32
      %add3A_327 = arith.constant 12288 : i32
      %add3A_328 = arith.addi %add3A_327, %add3A_326 : i32
      %get3A_329 = arith.index_cast %add3A_328 : i32 to index
      %get3A_330 = tpu.vector_load %arg7[%get3A_329] {strides = array<i32>} : memref<16384xi32, #tpu.memory_space<vmem>>, vector<16xi32>,
      %gather3A_331 = tpu.vector_load_idx %arg6[%get3A_330] : memref<100000xf32, #tpu.memory_space<vmem>>[vector<16xi32>], vector<16xf32>,
      %get3A_332 = arith.constant 1 : i32
      %get3A_333 = arith.index_cast %get3A_332 : i32 to index
      %get3A_334 = arith.index_cast %add3A_326 : i32 to index
      %get3A_335 = tpu.vector_load %arg8[%get3A_333, %get3A_334] {strides = array<i32>} : memref<2x4096xf32, #tpu.memory_space<vmem>>, vector<16xf32>,
      %sub3A_336 = arith.subf %get3A_335, %gather3A_331 : vector<16xf32>
      %mul3A_337 = arith.mulf %sub3A_336, %sub3A_336 : vector<16xf32>
      %add3A_338 = arith.addf %scan3A_307, %mul3A_337 : vector<16xf32>
      %mul3A_339 = arith.constant 64 : i32
      %mul3A_340 = arith.muli %scan3A_305, %mul3A_339 : i32
      %add3A_341 = arith.constant 32 : i32
      %add3A_342 = arith.addi %mul3A_340, %add3A_341 : i32
      %add3A_343 = arith.constant 12288 : i32
      %add3A_344 = arith.addi %add3A_343, %add3A_342 : i32
      %get3A_345 = arith.index_cast %add3A_344 : i32 to index
      %get3A_346 = tpu.vector_load %arg7[%get3A_345] {strides = array<i32>} : memref<16384xi32, #tpu.memory_space<vmem>>, vector<16xi32>,
      %gather3A_347 = tpu.vector_load_idx %arg6[%get3A_346] : memref<100000xf32, #tpu.memory_space<vmem>>[vector<16xi32>], vector<16xf32>,
      %get3A_348 = arith.constant 1 : i32
      %get3A_349 = arith.index_cast %get3A_348 : i32 to index
      %get3A_350 = arith.index_cast %add3A_342 : i32 to index
      %get3A_351 = tpu.vector_load %arg8[%get3A_349, %get3A_350] {strides = array<i32>} : memref<2x4096xf32, #tpu.memory_space<vmem>>, vector<16xf32>,
      %sub3A_352 = arith.subf %get3A_351, %gather3A_347 : vector<16xf32>
      %mul3A_353 = arith.mulf %sub3A_352, %sub3A_352 : vector<16xf32>
      %add3A_354 = arith.addf %scan3A_308, %mul3A_353 : vector<16xf32>
      %mul3A_355 = arith.constant 64 : i32
      %mul3A_356 = arith.muli %scan3A_305, %mul3A_355 : i32
      %add3A_357 = arith.constant 48 : i32
      %add3A_358 = arith.addi %mul3A_356, %add3A_357 : i32
      %add3A_359 = arith.constant 12288 : i32
      %add3A_360 = arith.addi %add3A_359, %add3A_358 : i32
      %get3A_361 = arith.index_cast %add3A_360 : i32 to index
      %get3A_362 = tpu.vector_load %arg7[%get3A_361] {strides = array<i32>} : memref<16384xi32, #tpu.memory_space<vmem>>, vector<16xi32>,
      %gather3A_363 = tpu.vector_load_idx %arg6[%get3A_362] : memref<100000xf32, #tpu.memory_space<vmem>>[vector<16xi32>], vector<16xf32>,
      %get3A_364 = arith.constant 1 : i32
      %get3A_365 = arith.index_cast %get3A_364 : i32 to index
      %get3A_366 = arith.index_cast %add3A_358 : i32 to index
      %get3A_367 = tpu.vector_load %arg8[%get3A_365, %get3A_366] {strides = array<i32>} : memref<2x4096xf32, #tpu.memory_space<vmem>>, vector<16xf32>,
      %sub3A_368 = arith.subf %get3A_367, %gather3A_363 : vector<16xf32>
      %mul3A_369 = arith.mulf %sub3A_368, %sub3A_368 : vector<16xf32>
      %add3A_370 = arith.addf %scan3A_309, %mul3A_369 : vector<16xf32>
      scf.yield %add3A_322, %add3A_338, %add3A_354, %add3A_370 : vector<16xf32>, vector<16xf32>, vector<16xf32>, vector<16xf32>
    }
    %scan3A_165 = arith.constant 64 : i32
    %add3A_166 = arith.constant 1 : i32
    %add3A_167 = arith.addi %add3A_30, %add3A_166 : i32
    %dma_start3A_168 = arith.constant 0 : i32
    %dma_start3A_169 = tpu.memref_slice %arg4[%add3A_167, %dma_start3A_168] : memref<64x100000xf32, #tpu.memory_space<hbm>> -> memref<1x100000xf32, #tpu.memory_space<hbm>>
    %dma_start3A_170 = tpu.memref_squeeze %dma_start3A_169 : memref<1x100000xf32, #tpu.memory_space<hbm>> -> memref<100000xf32, #tpu.memory_space<hbm>>
    %dma_start3A_171 = arith.constant 0 : i32
    %dma_start3A_172 = tpu.memref_slice %arg4[%add3A_167, %dma_start3A_171] : memref<64x100000xf32, #tpu.memory_space<hbm>> -> memref<1x100000xf32, #tpu.memory_space<hbm>>
    %dma_start3A_173 = tpu.memref_squeeze %dma_start3A_172 : memref<1x100000xf32, #tpu.memory_space<hbm>> -> memref<100000xf32, #tpu.memory_space<hbm>>
    tpu.enqueue_dma source(%dma_start3A_173 : memref<100000xf32, #tpu.memory_space<hbm>>) target(%arg6 : memref<100000xf32, #tpu.memory_space<vmem>>) target_semaphore(%arg11 : memref<!tpu.dma_semaphore, #tpu.memory_space<semaphore_mem>>)
    %add3A_174 = arith.constant 1 : i32
    %add3A_175 = arith.addi %mul3A_2, %add3A_174 : i32
    %dma_wait3A_176 = arith.constant 0 : i32
    %dma_wait3A_177 = tpu.memref_slice %arg4[%add3A_167, %dma_wait3A_176] : memref<64x100000xf32, #tpu.memory_space<hbm>> -> memref<1x100000xf32, #tpu.memory_space<hbm>>
    %dma_wait3A_178 = tpu.memref_squeeze %dma_wait3A_177 : memref<1x100000xf32, #tpu.memory_space<hbm>> -> memref<100000xf32, #tpu.memory_space<hbm>>
    %dma_wait3A_179 = arith.constant 0 : i32
    %dma_wait3A_180 = tpu.memref_slice %arg4[%add3A_167, %dma_wait3A_179] : memref<64x100000xf32, #tpu.memory_space<hbm>> -> memref<1x100000xf32, #tpu.memory_space<hbm>>
    %dma_wait3A_181 = tpu.memref_squeeze %dma_wait3A_180 : memref<1x100000xf32, #tpu.memory_space<hbm>> -> memref<100000xf32, #tpu.memory_space<hbm>>
    tpu.wait_dma2 semaphore(%arg11 : memref<!tpu.dma_semaphore, #tpu.memory_space<semaphore_mem>>) src(%dma_wait3A_181 : memref<100000xf32, #tpu.memory_space<hbm>>) dst(%arg6 : memref<100000xf32, #tpu.memory_space<vmem>>)
    %dma_start3A_182 = arith.constant 1 : i32
    %dma_start3A_183 = arith.constant 0 : i32
    %dma_start3A_184 = tpu.memref_slice %arg8[%dma_start3A_182, %dma_start3A_183] : memref<2x4096xf32, #tpu.memory_space<vmem>> -> memref<1x4096xf32, #tpu.memory_space<vmem>>
    %dma_start3A_185 = tpu.memref_squeeze %dma_start3A_184 : memref<1x4096xf32, #tpu.memory_space<vmem>> -> memref<4096xf32, #tpu.memory_space<vmem>>
    %dma_start3A_186 = arith.constant 4096 : i32
    %dma_start3A_187 = tpu.memref_slice %arg2[%add3A_175, %dma_start3A_186] : memref<64x16384xf32, #tpu.memory_space<hbm>> -> memref<1x4096xf32, #tpu.memory_space<hbm>>
    %dma_start3A_188 = tpu.memref_squeeze %dma_start3A_187 : memref<1x4096xf32, #tpu.memory_space<hbm>> -> memref<4096xf32, #tpu.memory_space<hbm>>
    %dma_start3A_189 = arith.constant 0 : i32
    %dma_start3A_190 = tpu.memref_slice %arg8[%dma_start3A_182, %dma_start3A_189] : memref<2x4096xf32, #tpu.memory_space<vmem>> -> memref<1x4096xf32, #tpu.memory_space<vmem>>
    %dma_start3A_191 = tpu.memref_squeeze %dma_start3A_190 : memref<1x4096xf32, #tpu.memory_space<vmem>> -> memref<4096xf32, #tpu.memory_space<vmem>>
    %dma_start3A_192 = arith.constant 4096 : i32
    %dma_start3A_193 = tpu.memref_slice %arg2[%add3A_175, %dma_start3A_192] : memref<64x16384xf32, #tpu.memory_space<hbm>> -> memref<1x4096xf32, #tpu.memory_space<hbm>>
    %dma_start3A_194 = tpu.memref_squeeze %dma_start3A_193 : memref<1x4096xf32, #tpu.memory_space<hbm>> -> memref<4096xf32, #tpu.memory_space<hbm>>
    tpu.enqueue_dma source(%dma_start3A_194 : memref<4096xf32, #tpu.memory_space<hbm>>) target(%dma_start3A_191 : memref<4096xf32, #tpu.memory_space<vmem>>) target_semaphore(%arg13 : memref<!tpu.dma_semaphore, #tpu.memory_space<semaphore_mem>>)
    %dma_wait3A_195 = arith.constant 0 : i32
    %dma_wait3A_196 = arith.constant 0 : i32
    %dma_wait3A_197 = tpu.memref_slice %arg8[%dma_wait3A_195, %dma_wait3A_196] : memref<2x4096xf32, #tpu.memory_space<vmem>> -> memref<1x4096xf32, #tpu.memory_space<vmem>>
    %dma_wait3A_198 = tpu.memref_squeeze %dma_wait3A_197 : memref<1x4096xf32, #tpu.memory_space<vmem>> -> memref<4096xf32, #tpu.memory_space<vmem>>
    %dma_wait3A_199 = arith.constant 0 : i32
    %dma_wait3A_200 = tpu.memref_slice %arg2[%add3A_133, %dma_wait3A_199] : memref<64x16384xf32, #tpu.memory_space<hbm>> -> memref<1x4096xf32, #tpu.memory_space<hbm>>
    %dma_wait3A_201 = tpu.memref_squeeze %dma_wait3A_200 : memref<1x4096xf32, #tpu.memory_space<hbm>> -> memref<4096xf32, #tpu.memory_space<hbm>>
    %dma_wait3A_202 = arith.constant 0 : i32
    %dma_wait3A_203 = tpu.memref_slice %arg8[%dma_wait3A_195, %dma_wait3A_202] : memref<2x4096xf32, #tpu.memory_space<vmem>> -> memref<1x4096xf32, #tpu.memory_space<vmem>>
    %dma_wait3A_204 = tpu.memref_squeeze %dma_wait3A_203 : memref<1x4096xf32, #tpu.memory_space<vmem>> -> memref<4096xf32, #tpu.memory_space<vmem>>
    %dma_wait3A_205 = arith.constant 0 : i32
    %dma_wait3A_206 = tpu.memref_slice %arg2[%add3A_133, %dma_wait3A_205] : memref<64x16384xf32, #tpu.memory_space<hbm>> -> memref<1x4096xf32, #tpu.memory_space<hbm>>
    %dma_wait3A_207 = tpu.memref_squeeze %dma_wait3A_206 : memref<1x4096xf32, #tpu.memory_space<hbm>> -> memref<4096xf32, #tpu.memory_space<hbm>>
    tpu.wait_dma2 semaphore(%arg13 : memref<!tpu.dma_semaphore, #tpu.memory_space<semaphore_mem>>) src(%dma_wait3A_207 : memref<4096xf32, #tpu.memory_space<hbm>>) dst(%dma_wait3A_204 : memref<4096xf32, #tpu.memory_space<vmem>>)
    %scan3A_208 = arith.constant 0 : i32
    %scan3A_209 = arith.constant 64 : i32
    %scan3A_210 = arith.addi %scan3A_208, %scan3A_209 : i32
    %scan3A_211 = arith.constant 1 : i32
    %scan3A_212:4 = scf.for %scan3A_305 = %scan3A_208 to %scan3A_210 step %scan3A_211 iter_args(%scan3A_306 = %scan3A_164#0, %scan3A_307 = %scan3A_164#1, %scan3A_308 = %scan3A_164#2, %scan3A_309 = %scan3A_164#3) -> (vector<16xf32>, vector<16xf32>, vector<16xf32>, vector<16xf32>)  : i32 {
      %mul3A_310 = arith.constant 64 : i32
      %mul3A_311 = arith.muli %scan3A_305, %mul3A_310 : i32
      %add3A_312 = arith.constant 0 : i32
      %add3A_313 = arith.addi %mul3A_311, %add3A_312 : i32
      %add3A_314 = arith.constant 0 : i32
      %add3A_315 = arith.addi %add3A_314, %add3A_313 : i32
      %get3A = arith.index_cast %add3A_315 : i32 to index
      %get3A_316 = tpu.vector_load %arg7[%get3A] {strides = array<i32>} : memref<16384xi32, #tpu.memory_space<vmem>>, vector<16xi32>,
      %gather3A = tpu.vector_load_idx %arg6[%get3A_316] : memref<100000xf32, #tpu.memory_space<vmem>>[vector<16xi32>], vector<16xf32>,
      %get3A_317 = arith.constant 0 : i32
      %get3A_318 = arith.index_cast %get3A_317 : i32 to index
      %get3A_319 = arith.index_cast %add3A_313 : i32 to index
      %get3A_320 = tpu.vector_load %arg8[%get3A_318, %get3A_319] {strides = array<i32>} : memref<2x4096xf32, #tpu.memory_space<vmem>>, vector<16xf32>,
      %sub3A = arith.subf %get3A_320, %gather3A : vector<16xf32>
      %mul3A_321 = arith.mulf %sub3A, %sub3A : vector<16xf32>
      %add3A_322 = arith.addf %scan3A_306, %mul3A_321 : vector<16xf32>
      %mul3A_323 = arith.constant 64 : i32
      %mul3A_324 = arith.muli %scan3A_305, %mul3A_323 : i32
      %add3A_325 = arith.constant 16 : i32
      %add3A_326 = arith.addi %mul3A_324, %add3A_325 : i32
      %add3A_327 = arith.constant 0 : i32
      %add3A_328 = arith.addi %add3A_327, %add3A_326 : i32
      %get3A_329 = arith.index_cast %add3A_328 : i32 to index
      %get3A_330 = tpu.vector_load %arg7[%get3A_329] {strides = array<i32>} : memref<16384xi32, #tpu.memory_space<vmem>>, vector<16xi32>,
      %gather3A_331 = tpu.vector_load_idx %arg6[%get3A_330] : memref<100000xf32, #tpu.memory_space<vmem>>[vector<16xi32>], vector<16xf32>,
      %get3A_332 = arith.constant 0 : i32
      %get3A_333 = arith.index_cast %get3A_332 : i32 to index
      %get3A_334 = arith.index_cast %add3A_326 : i32 to index
      %get3A_335 = tpu.vector_load %arg8[%get3A_333, %get3A_334] {strides = array<i32>} : memref<2x4096xf32, #tpu.memory_space<vmem>>, vector<16xf32>,
      %sub3A_336 = arith.subf %get3A_335, %gather3A_331 : vector<16xf32>
      %mul3A_337 = arith.mulf %sub3A_336, %sub3A_336 : vector<16xf32>
      %add3A_338 = arith.addf %scan3A_307, %mul3A_337 : vector<16xf32>
      %mul3A_339 = arith.constant 64 : i32
      %mul3A_340 = arith.muli %scan3A_305, %mul3A_339 : i32
      %add3A_341 = arith.constant 32 : i32
      %add3A_342 = arith.addi %mul3A_340, %add3A_341 : i32
      %add3A_343 = arith.constant 0 : i32
      %add3A_344 = arith.addi %add3A_343, %add3A_342 : i32
      %get3A_345 = arith.index_cast %add3A_344 : i32 to index
      %get3A_346 = tpu.vector_load %arg7[%get3A_345] {strides = array<i32>} : memref<16384xi32, #tpu.memory_space<vmem>>, vector<16xi32>,
      %gather3A_347 = tpu.vector_load_idx %arg6[%get3A_346] : memref<100000xf32, #tpu.memory_space<vmem>>[vector<16xi32>], vector<16xf32>,
      %get3A_348 = arith.constant 0 : i32
      %get3A_349 = arith.index_cast %get3A_348 : i32 to index
      %get3A_350 = arith.index_cast %add3A_342 : i32 to index
      %get3A_351 = tpu.vector_load %arg8[%get3A_349, %get3A_350] {strides = array<i32>} : memref<2x4096xf32, #tpu.memory_space<vmem>>, vector<16xf32>,
      %sub3A_352 = arith.subf %get3A_351, %gather3A_347 : vector<16xf32>
      %mul3A_353 = arith.mulf %sub3A_352, %sub3A_352 : vector<16xf32>
      %add3A_354 = arith.addf %scan3A_308, %mul3A_353 : vector<16xf32>
      %mul3A_355 = arith.constant 64 : i32
      %mul3A_356 = arith.muli %scan3A_305, %mul3A_355 : i32
      %add3A_357 = arith.constant 48 : i32
      %add3A_358 = arith.addi %mul3A_356, %add3A_357 : i32
      %add3A_359 = arith.constant 0 : i32
      %add3A_360 = arith.addi %add3A_359, %add3A_358 : i32
      %get3A_361 = arith.index_cast %add3A_360 : i32 to index
      %get3A_362 = tpu.vector_load %arg7[%get3A_361] {strides = array<i32>} : memref<16384xi32, #tpu.memory_space<vmem>>, vector<16xi32>,
      %gather3A_363 = tpu.vector_load_idx %arg6[%get3A_362] : memref<100000xf32, #tpu.memory_space<vmem>>[vector<16xi32>], vector<16xf32>,
      %get3A_364 = arith.constant 0 : i32
      %get3A_365 = arith.index_cast %get3A_364 : i32 to index
      %get3A_366 = arith.index_cast %add3A_358 : i32 to index
      %get3A_367 = tpu.vector_load %arg8[%get3A_365, %get3A_366] {strides = array<i32>} : memref<2x4096xf32, #tpu.memory_space<vmem>>, vector<16xf32>,
      %sub3A_368 = arith.subf %get3A_367, %gather3A_363 : vector<16xf32>
      %mul3A_369 = arith.mulf %sub3A_368, %sub3A_368 : vector<16xf32>
      %add3A_370 = arith.addf %scan3A_309, %mul3A_369 : vector<16xf32>
      scf.yield %add3A_322, %add3A_338, %add3A_354, %add3A_370 : vector<16xf32>, vector<16xf32>, vector<16xf32>, vector<16xf32>
    }
    %scan3A_213 = arith.constant 64 : i32
    %dma_start3A_214 = arith.constant 0 : i32
    %dma_start3A_215 = arith.constant 0 : i32
    %dma_start3A_216 = tpu.memref_slice %arg8[%dma_start3A_214, %dma_start3A_215] : memref<2x4096xf32, #tpu.memory_space<vmem>> -> memref<1x4096xf32, #tpu.memory_space<vmem>>
    %dma_start3A_217 = tpu.memref_squeeze %dma_start3A_216 : memref<1x4096xf32, #tpu.memory_space<vmem>> -> memref<4096xf32, #tpu.memory_space<vmem>>
    %dma_start3A_218 = arith.constant 8192 : i32
    %dma_start3A_219 = tpu.memref_slice %arg2[%add3A_175, %dma_start3A_218] : memref<64x16384xf32, #tpu.memory_space<hbm>> -> memref<1x4096xf32, #tpu.memory_space<hbm>>
    %dma_start3A_220 = tpu.memref_squeeze %dma_start3A_219 : memref<1x4096xf32, #tpu.memory_space<hbm>> -> memref<4096xf32, #tpu.memory_space<hbm>>
    %dma_start3A_221 = arith.constant 0 : i32
    %dma_start3A_222 = tpu.memref_slice %arg8[%dma_start3A_214, %dma_start3A_221] : memref<2x4096xf32, #tpu.memory_space<vmem>> -> memref<1x4096xf32, #tpu.memory_space<vmem>>
    %dma_start3A_223 = tpu.memref_squeeze %dma_start3A_222 : memref<1x4096xf32, #tpu.memory_space<vmem>> -> memref<4096xf32, #tpu.memory_space<vmem>>
    %dma_start3A_224 = arith.constant 8192 : i32
    %dma_start3A_225 = tpu.memref_slice %arg2[%add3A_175, %dma_start3A_224] : memref<64x16384xf32, #tpu.memory_space<hbm>> -> memref<1x4096xf32, #tpu.memory_space<hbm>>
    %dma_start3A_226 = tpu.memref_squeeze %dma_start3A_225 : memref<1x4096xf32, #tpu.memory_space<hbm>> -> memref<4096xf32, #tpu.memory_space<hbm>>
    tpu.enqueue_dma source(%dma_start3A_226 : memref<4096xf32, #tpu.memory_space<hbm>>) target(%dma_start3A_223 : memref<4096xf32, #tpu.memory_space<vmem>>) target_semaphore(%arg13 : memref<!tpu.dma_semaphore, #tpu.memory_space<semaphore_mem>>)
    %dma_wait3A_227 = arith.constant 1 : i32
    %dma_wait3A_228 = arith.constant 0 : i32
    %dma_wait3A_229 = tpu.memref_slice %arg8[%dma_wait3A_227, %dma_wait3A_228] : memref<2x4096xf32, #tpu.memory_space<vmem>> -> memref<1x4096xf32, #tpu.memory_space<vmem>>
    %dma_wait3A_230 = tpu.memref_squeeze %dma_wait3A_229 : memref<1x4096xf32, #tpu.memory_space<vmem>> -> memref<4096xf32, #tpu.memory_space<vmem>>
    %dma_wait3A_231 = arith.constant 4096 : i32
    %dma_wait3A_232 = tpu.memref_slice %arg2[%add3A_175, %dma_wait3A_231] : memref<64x16384xf32, #tpu.memory_space<hbm>> -> memref<1x4096xf32, #tpu.memory_space<hbm>>
    %dma_wait3A_233 = tpu.memref_squeeze %dma_wait3A_232 : memref<1x4096xf32, #tpu.memory_space<hbm>> -> memref<4096xf32, #tpu.memory_space<hbm>>
    %dma_wait3A_234 = arith.constant 0 : i32
    %dma_wait3A_235 = tpu.memref_slice %arg8[%dma_wait3A_227, %dma_wait3A_234] : memref<2x4096xf32, #tpu.memory_space<vmem>> -> memref<1x4096xf32, #tpu.memory_space<vmem>>
    %dma_wait3A_236 = tpu.memref_squeeze %dma_wait3A_235 : memref<1x4096xf32, #tpu.memory_space<vmem>> -> memref<4096xf32, #tpu.memory_space<vmem>>
    %dma_wait3A_237 = arith.constant 4096 : i32
    %dma_wait3A_238 = tpu.memref_slice %arg2[%add3A_175, %dma_wait3A_237] : memref<64x16384xf32, #tpu.memory_space<hbm>> -> memref<1x4096xf32, #tpu.memory_space<hbm>>
    %dma_wait3A_239 = tpu.memref_squeeze %dma_wait3A_238 : memref<1x4096xf32, #tpu.memory_space<hbm>> -> memref<4096xf32, #tpu.memory_space<hbm>>
    tpu.wait_dma2 semaphore(%arg13 : memref<!tpu.dma_semaphore, #tpu.memory_space<semaphore_mem>>) src(%dma_wait3A_239 : memref<4096xf32, #tpu.memory_space<hbm>>) dst(%dma_wait3A_236 : memref<4096xf32, #tpu.memory_space<vmem>>)
    %scan3A_240 = arith.constant 0 : i32
    %scan3A_241 = arith.constant 64 : i32
    %scan3A_242 = arith.addi %scan3A_240, %scan3A_241 : i32
    %scan3A_243 = arith.constant 1 : i32
    %scan3A_244:4 = scf.for %scan3A_305 = %scan3A_240 to %scan3A_242 step %scan3A_243 iter_args(%scan3A_306 = %scan3A_212#0, %scan3A_307 = %scan3A_212#1, %scan3A_308 = %scan3A_212#2, %scan3A_309 = %scan3A_212#3) -> (vector<16xf32>, vector<16xf32>, vector<16xf32>, vector<16xf32>)  : i32 {
      %mul3A_310 = arith.constant 64 : i32
      %mul3A_311 = arith.muli %scan3A_305, %mul3A_310 : i32
      %add3A_312 = arith.constant 0 : i32
      %add3A_313 = arith.addi %mul3A_311, %add3A_312 : i32
      %add3A_314 = arith.constant 4096 : i32
      %add3A_315 = arith.addi %add3A_314, %add3A_313 : i32
      %get3A = arith.index_cast %add3A_315 : i32 to index
      %get3A_316 = tpu.vector_load %arg7[%get3A] {strides = array<i32>} : memref<16384xi32, #tpu.memory_space<vmem>>, vector<16xi32>,
      %gather3A = tpu.vector_load_idx %arg6[%get3A_316] : memref<100000xf32, #tpu.memory_space<vmem>>[vector<16xi32>], vector<16xf32>,
      %get3A_317 = arith.constant 1 : i32
      %get3A_318 = arith.index_cast %get3A_317 : i32 to index
      %get3A_319 = arith.index_cast %add3A_313 : i32 to index
      %get3A_320 = tpu.vector_load %arg8[%get3A_318, %get3A_319] {strides = array<i32>} : memref<2x4096xf32, #tpu.memory_space<vmem>>, vector<16xf32>,
      %sub3A = arith.subf %get3A_320, %gather3A : vector<16xf32>
      %mul3A_321 = arith.mulf %sub3A, %sub3A : vector<16xf32>
      %add3A_322 = arith.addf %scan3A_306, %mul3A_321 : vector<16xf32>
      %mul3A_323 = arith.constant 64 : i32
      %mul3A_324 = arith.muli %scan3A_305, %mul3A_323 : i32
      %add3A_325 = arith.constant 16 : i32
      %add3A_326 = arith.addi %mul3A_324, %add3A_325 : i32
      %add3A_327 = arith.constant 4096 : i32
      %add3A_328 = arith.addi %add3A_327, %add3A_326 : i32
      %get3A_329 = arith.index_cast %add3A_328 : i32 to index
      %get3A_330 = tpu.vector_load %arg7[%get3A_329] {strides = array<i32>} : memref<16384xi32, #tpu.memory_space<vmem>>, vector<16xi32>,
      %gather3A_331 = tpu.vector_load_idx %arg6[%get3A_330] : memref<100000xf32, #tpu.memory_space<vmem>>[vector<16xi32>], vector<16xf32>,
      %get3A_332 = arith.constant 1 : i32
      %get3A_333 = arith.index_cast %get3A_332 : i32 to index
      %get3A_334 = arith.index_cast %add3A_326 : i32 to index
      %get3A_335 = tpu.vector_load %arg8[%get3A_333, %get3A_334] {strides = array<i32>} : memref<2x4096xf32, #tpu.memory_space<vmem>>, vector<16xf32>,
      %sub3A_336 = arith.subf %get3A_335, %gather3A_331 : vector<16xf32>
      %mul3A_337 = arith.mulf %sub3A_336, %sub3A_336 : vector<16xf32>
      %add3A_338 = arith.addf %scan3A_307, %mul3A_337 : vector<16xf32>
      %mul3A_339 = arith.constant 64 : i32
      %mul3A_340 = arith.muli %scan3A_305, %mul3A_339 : i32
      %add3A_341 = arith.constant 32 : i32
      %add3A_342 = arith.addi %mul3A_340, %add3A_341 : i32
      %add3A_343 = arith.constant 4096 : i32
      %add3A_344 = arith.addi %add3A_343, %add3A_342 : i32
      %get3A_345 = arith.index_cast %add3A_344 : i32 to index
      %get3A_346 = tpu.vector_load %arg7[%get3A_345] {strides = array<i32>} : memref<16384xi32, #tpu.memory_space<vmem>>, vector<16xi32>,
      %gather3A_347 = tpu.vector_load_idx %arg6[%get3A_346] : memref<100000xf32, #tpu.memory_space<vmem>>[vector<16xi32>], vector<16xf32>,
      %get3A_348 = arith.constant 1 : i32
      %get3A_349 = arith.index_cast %get3A_348 : i32 to index
      %get3A_350 = arith.index_cast %add3A_342 : i32 to index
      %get3A_351 = tpu.vector_load %arg8[%get3A_349, %get3A_350] {strides = array<i32>} : memref<2x4096xf32, #tpu.memory_space<vmem>>, vector<16xf32>,
      %sub3A_352 = arith.subf %get3A_351, %gather3A_347 : vector<16xf32>
      %mul3A_353 = arith.mulf %sub3A_352, %sub3A_352 : vector<16xf32>
      %add3A_354 = arith.addf %scan3A_308, %mul3A_353 : vector<16xf32>
      %mul3A_355 = arith.constant 64 : i32
      %mul3A_356 = arith.muli %scan3A_305, %mul3A_355 : i32
      %add3A_357 = arith.constant 48 : i32
      %add3A_358 = arith.addi %mul3A_356, %add3A_357 : i32
      %add3A_359 = arith.constant 4096 : i32
      %add3A_360 = arith.addi %add3A_359, %add3A_358 : i32
      %get3A_361 = arith.index_cast %add3A_360 : i32 to index
      %get3A_362 = tpu.vector_load %arg7[%get3A_361] {strides = array<i32>} : memref<16384xi32, #tpu.memory_space<vmem>>, vector<16xi32>,
      %gather3A_363 = tpu.vector_load_idx %arg6[%get3A_362] : memref<100000xf32, #tpu.memory_space<vmem>>[vector<16xi32>], vector<16xf32>,
      %get3A_364 = arith.constant 1 : i32
      %get3A_365 = arith.index_cast %get3A_364 : i32 to index
      %get3A_366 = arith.index_cast %add3A_358 : i32 to index
      %get3A_367 = tpu.vector_load %arg8[%get3A_365, %get3A_366] {strides = array<i32>} : memref<2x4096xf32, #tpu.memory_space<vmem>>, vector<16xf32>,
      %sub3A_368 = arith.subf %get3A_367, %gather3A_363 : vector<16xf32>
      %mul3A_369 = arith.mulf %sub3A_368, %sub3A_368 : vector<16xf32>
      %add3A_370 = arith.addf %scan3A_309, %mul3A_369 : vector<16xf32>
      scf.yield %add3A_322, %add3A_338, %add3A_354, %add3A_370 : vector<16xf32>, vector<16xf32>, vector<16xf32>, vector<16xf32>
    }
    %scan3A_245 = arith.constant 64 : i32
    %dma_start3A_246 = arith.constant 1 : i32
    %dma_start3A_247 = arith.constant 0 : i32
    %dma_start3A_248 = tpu.memref_slice %arg8[%dma_start3A_246, %dma_start3A_247] : memref<2x4096xf32, #tpu.memory_space<vmem>> -> memref<1x4096xf32, #tpu.memory_space<vmem>>
    %dma_start3A_249 = tpu.memref_squeeze %dma_start3A_248 : memref<1x4096xf32, #tpu.memory_space<vmem>> -> memref<4096xf32, #tpu.memory_space<vmem>>
    %dma_start3A_250 = arith.constant 12288 : i32
    %dma_start3A_251 = tpu.memref_slice %arg2[%add3A_175, %dma_start3A_250] : memref<64x16384xf32, #tpu.memory_space<hbm>> -> memref<1x4096xf32, #tpu.memory_space<hbm>>
    %dma_start3A_252 = tpu.memref_squeeze %dma_start3A_251 : memref<1x4096xf32, #tpu.memory_space<hbm>> -> memref<4096xf32, #tpu.memory_space<hbm>>
    %dma_start3A_253 = arith.constant 0 : i32
    %dma_start3A_254 = tpu.memref_slice %arg8[%dma_start3A_246, %dma_start3A_253] : memref<2x4096xf32, #tpu.memory_space<vmem>> -> memref<1x4096xf32, #tpu.memory_space<vmem>>
    %dma_start3A_255 = tpu.memref_squeeze %dma_start3A_254 : memref<1x4096xf32, #tpu.memory_space<vmem>> -> memref<4096xf32, #tpu.memory_space<vmem>>
    %dma_start3A_256 = arith.constant 12288 : i32
    %dma_start3A_257 = tpu.memref_slice %arg2[%add3A_175, %dma_start3A_256] : memref<64x16384xf32, #tpu.memory_space<hbm>> -> memref<1x4096xf32, #tpu.memory_space<hbm>>
    %dma_start3A_258 = tpu.memref_squeeze %dma_start3A_257 : memref<1x4096xf32, #tpu.memory_space<hbm>> -> memref<4096xf32, #tpu.memory_space<hbm>>
    tpu.enqueue_dma source(%dma_start3A_258 : memref<4096xf32, #tpu.memory_space<hbm>>) target(%dma_start3A_255 : memref<4096xf32, #tpu.memory_space<vmem>>) target_semaphore(%arg13 : memref<!tpu.dma_semaphore, #tpu.memory_space<semaphore_mem>>)
    %dma_wait3A_259 = arith.constant 0 : i32
    %dma_wait3A_260 = arith.constant 0 : i32
    %dma_wait3A_261 = tpu.memref_slice %arg8[%dma_wait3A_259, %dma_wait3A_260] : memref<2x4096xf32, #tpu.memory_space<vmem>> -> memref<1x4096xf32, #tpu.memory_space<vmem>>
    %dma_wait3A_262 = tpu.memref_squeeze %dma_wait3A_261 : memref<1x4096xf32, #tpu.memory_space<vmem>> -> memref<4096xf32, #tpu.memory_space<vmem>>
    %dma_wait3A_263 = arith.constant 8192 : i32
    %dma_wait3A_264 = tpu.memref_slice %arg2[%add3A_175, %dma_wait3A_263] : memref<64x16384xf32, #tpu.memory_space<hbm>> -> memref<1x4096xf32, #tpu.memory_space<hbm>>
    %dma_wait3A_265 = tpu.memref_squeeze %dma_wait3A_264 : memref<1x4096xf32, #tpu.memory_space<hbm>> -> memref<4096xf32, #tpu.memory_space<hbm>>
    %dma_wait3A_266 = arith.constant 0 : i32
    %dma_wait3A_267 = tpu.memref_slice %arg8[%dma_wait3A_259, %dma_wait3A_266] : memref<2x4096xf32, #tpu.memory_space<vmem>> -> memref<1x4096xf32, #tpu.memory_space<vmem>>
    %dma_wait3A_268 = tpu.memref_squeeze %dma_wait3A_267 : memref<1x4096xf32, #tpu.memory_space<vmem>> -> memref<4096xf32, #tpu.memory_space<vmem>>
    %dma_wait3A_269 = arith.constant 8192 : i32
    %dma_wait3A_270 = tpu.memref_slice %arg2[%add3A_175, %dma_wait3A_269] : memref<64x16384xf32, #tpu.memory_space<hbm>> -> memref<1x4096xf32, #tpu.memory_space<hbm>>
    %dma_wait3A_271 = tpu.memref_squeeze %dma_wait3A_270 : memref<1x4096xf32, #tpu.memory_space<hbm>> -> memref<4096xf32, #tpu.memory_space<hbm>>
    tpu.wait_dma2 semaphore(%arg13 : memref<!tpu.dma_semaphore, #tpu.memory_space<semaphore_mem>>) src(%dma_wait3A_271 : memref<4096xf32, #tpu.memory_space<hbm>>) dst(%dma_wait3A_268 : memref<4096xf32, #tpu.memory_space<vmem>>)
    %scan3A_272 = arith.constant 0 : i32
    %scan3A_273 = arith.constant 64 : i32
    %scan3A_274 = arith.addi %scan3A_272, %scan3A_273 : i32
    %scan3A_275 = arith.constant 1 : i32
    %scan3A_276:4 = scf.for %scan3A_305 = %scan3A_272 to %scan3A_274 step %scan3A_275 iter_args(%scan3A_306 = %scan3A_244#0, %scan3A_307 = %scan3A_244#1, %scan3A_308 = %scan3A_244#2, %scan3A_309 = %scan3A_244#3) -> (vector<16xf32>, vector<16xf32>, vector<16xf32>, vector<16xf32>)  : i32 {
      %mul3A_310 = arith.constant 64 : i32
      %mul3A_311 = arith.muli %scan3A_305, %mul3A_310 : i32
      %add3A_312 = arith.constant 0 : i32
      %add3A_313 = arith.addi %mul3A_311, %add3A_312 : i32
      %add3A_314 = arith.constant 8192 : i32
      %add3A_315 = arith.addi %add3A_314, %add3A_313 : i32
      %get3A = arith.index_cast %add3A_315 : i32 to index
      %get3A_316 = tpu.vector_load %arg7[%get3A] {strides = array<i32>} : memref<16384xi32, #tpu.memory_space<vmem>>, vector<16xi32>,
      %gather3A = tpu.vector_load_idx %arg6[%get3A_316] : memref<100000xf32, #tpu.memory_space<vmem>>[vector<16xi32>], vector<16xf32>,
      %get3A_317 = arith.constant 0 : i32
      %get3A_318 = arith.index_cast %get3A_317 : i32 to index
      %get3A_319 = arith.index_cast %add3A_313 : i32 to index
      %get3A_320 = tpu.vector_load %arg8[%get3A_318, %get3A_319] {strides = array<i32>} : memref<2x4096xf32, #tpu.memory_space<vmem>>, vector<16xf32>,
      %sub3A = arith.subf %get3A_320, %gather3A : vector<16xf32>
      %mul3A_321 = arith.mulf %sub3A, %sub3A : vector<16xf32>
      %add3A_322 = arith.addf %scan3A_306, %mul3A_321 : vector<16xf32>
      %mul3A_323 = arith.constant 64 : i32
      %mul3A_324 = arith.muli %scan3A_305, %mul3A_323 : i32
      %add3A_325 = arith.constant 16 : i32
      %add3A_326 = arith.addi %mul3A_324, %add3A_325 : i32
      %add3A_327 = arith.constant 8192 : i32
      %add3A_328 = arith.addi %add3A_327, %add3A_326 : i32
      %get3A_329 = arith.index_cast %add3A_328 : i32 to index
      %get3A_330 = tpu.vector_load %arg7[%get3A_329] {strides = array<i32>} : memref<16384xi32, #tpu.memory_space<vmem>>, vector<16xi32>,
      %gather3A_331 = tpu.vector_load_idx %arg6[%get3A_330] : memref<100000xf32, #tpu.memory_space<vmem>>[vector<16xi32>], vector<16xf32>,
      %get3A_332 = arith.constant 0 : i32
      %get3A_333 = arith.index_cast %get3A_332 : i32 to index
      %get3A_334 = arith.index_cast %add3A_326 : i32 to index
      %get3A_335 = tpu.vector_load %arg8[%get3A_333, %get3A_334] {strides = array<i32>} : memref<2x4096xf32, #tpu.memory_space<vmem>>, vector<16xf32>,
      %sub3A_336 = arith.subf %get3A_335, %gather3A_331 : vector<16xf32>
      %mul3A_337 = arith.mulf %sub3A_336, %sub3A_336 : vector<16xf32>
      %add3A_338 = arith.addf %scan3A_307, %mul3A_337 : vector<16xf32>
      %mul3A_339 = arith.constant 64 : i32
      %mul3A_340 = arith.muli %scan3A_305, %mul3A_339 : i32
      %add3A_341 = arith.constant 32 : i32
      %add3A_342 = arith.addi %mul3A_340, %add3A_341 : i32
      %add3A_343 = arith.constant 8192 : i32
      %add3A_344 = arith.addi %add3A_343, %add3A_342 : i32
      %get3A_345 = arith.index_cast %add3A_344 : i32 to index
      %get3A_346 = tpu.vector_load %arg7[%get3A_345] {strides = array<i32>} : memref<16384xi32, #tpu.memory_space<vmem>>, vector<16xi32>,
      %gather3A_347 = tpu.vector_load_idx %arg6[%get3A_346] : memref<100000xf32, #tpu.memory_space<vmem>>[vector<16xi32>], vector<16xf32>,
      %get3A_348 = arith.constant 0 : i32
      %get3A_349 = arith.index_cast %get3A_348 : i32 to index
      %get3A_350 = arith.index_cast %add3A_342 : i32 to index
      %get3A_351 = tpu.vector_load %arg8[%get3A_349, %get3A_350] {strides = array<i32>} : memref<2x4096xf32, #tpu.memory_space<vmem>>, vector<16xf32>,
      %sub3A_352 = arith.subf %get3A_351, %gather3A_347 : vector<16xf32>
      %mul3A_353 = arith.mulf %sub3A_352, %sub3A_352 : vector<16xf32>
      %add3A_354 = arith.addf %scan3A_308, %mul3A_353 : vector<16xf32>
      %mul3A_355 = arith.constant 64 : i32
      %mul3A_356 = arith.muli %scan3A_305, %mul3A_355 : i32
      %add3A_357 = arith.constant 48 : i32
      %add3A_358 = arith.addi %mul3A_356, %add3A_357 : i32
      %add3A_359 = arith.constant 8192 : i32
      %add3A_360 = arith.addi %add3A_359, %add3A_358 : i32
      %get3A_361 = arith.index_cast %add3A_360 : i32 to index
      %get3A_362 = tpu.vector_load %arg7[%get3A_361] {strides = array<i32>} : memref<16384xi32, #tpu.memory_space<vmem>>, vector<16xi32>,
      %gather3A_363 = tpu.vector_load_idx %arg6[%get3A_362] : memref<100000xf32, #tpu.memory_space<vmem>>[vector<16xi32>], vector<16xf32>,
      %get3A_364 = arith.constant 0 : i32
      %get3A_365 = arith.index_cast %get3A_364 : i32 to index
      %get3A_366 = arith.index_cast %add3A_358 : i32 to index
      %get3A_367 = tpu.vector_load %arg8[%get3A_365, %get3A_366] {strides = array<i32>} : memref<2x4096xf32, #tpu.memory_space<vmem>>, vector<16xf32>,
      %sub3A_368 = arith.subf %get3A_367, %gather3A_363 : vector<16xf32>
      %mul3A_369 = arith.mulf %sub3A_368, %sub3A_368 : vector<16xf32>
      %add3A_370 = arith.addf %scan3A_309, %mul3A_369 : vector<16xf32>
      scf.yield %add3A_322, %add3A_338, %add3A_354, %add3A_370 : vector<16xf32>, vector<16xf32>, vector<16xf32>, vector<16xf32>
    }
    %scan3A_277 = arith.constant 64 : i32
    %add3A_278 = arith.constant 1 : i32
    %add3A_279 = arith.addi %add3A_175, %add3A_278 : i32
    %dma_wait3A_280 = arith.constant 1 : i32
    %dma_wait3A_281 = arith.constant 0 : i32
    %dma_wait3A_282 = tpu.memref_slice %arg8[%dma_wait3A_280, %dma_wait3A_281] : memref<2x4096xf32, #tpu.memory_space<vmem>> -> memref<1x4096xf32, #tpu.memory_space<vmem>>
    %dma_wait3A_283 = tpu.memref_squeeze %dma_wait3A_282 : memref<1x4096xf32, #tpu.memory_space<vmem>> -> memref<4096xf32, #tpu.memory_space<vmem>>
    %dma_wait3A_284 = arith.constant 12288 : i32
    %dma_wait3A_285 = tpu.memref_slice %arg2[%add3A_175, %dma_wait3A_284] : memref<64x16384xf32, #tpu.memory_space<hbm>> -> memref<1x4096xf32, #tpu.memory_space<hbm>>
    %dma_wait3A_286 = tpu.memref_squeeze %dma_wait3A_285 : memref<1x4096xf32, #tpu.memory_space<hbm>> -> memref<4096xf32, #tpu.memory_space<hbm>>
    %dma_wait3A_287 = arith.constant 0 : i32
    %dma_wait3A_288 = tpu.memref_slice %arg8[%dma_wait3A_280, %dma_wait3A_287] : memref<2x4096xf32, #tpu.memory_space<vmem>> -> memref<1x4096xf32, #tpu.memory_space<vmem>>
    %dma_wait3A_289 = tpu.memref_squeeze %dma_wait3A_288 : memref<1x4096xf32, #tpu.memory_space<vmem>> -> memref<4096xf32, #tpu.memory_space<vmem>>
    %dma_wait3A_290 = arith.constant 12288 : i32
    %dma_wait3A_291 = tpu.memref_slice %arg2[%add3A_175, %dma_wait3A_290] : memref<64x16384xf32, #tpu.memory_space<hbm>> -> memref<1x4096xf32, #tpu.memory_space<hbm>>
    %dma_wait3A_292 = tpu.memref_squeeze %dma_wait3A_291 : memref<1x4096xf32, #tpu.memory_space<hbm>> -> memref<4096xf32, #tpu.memory_space<hbm>>
    tpu.wait_dma2 semaphore(%arg13 : memref<!tpu.dma_semaphore, #tpu.memory_space<semaphore_mem>>) src(%dma_wait3A_292 : memref<4096xf32, #tpu.memory_space<hbm>>) dst(%dma_wait3A_289 : memref<4096xf32, #tpu.memory_space<vmem>>)
    %scan3A_293 = arith.constant 0 : i32
    %scan3A_294 = arith.constant 64 : i32
    %scan3A_295 = arith.addi %scan3A_293, %scan3A_294 : i32
    %scan3A_296 = arith.constant 1 : i32
    %scan3A_297:4 = scf.for %scan3A_305 = %scan3A_293 to %scan3A_295 step %scan3A_296 iter_args(%scan3A_306 = %scan3A_276#0, %scan3A_307 = %scan3A_276#1, %scan3A_308 = %scan3A_276#2, %scan3A_309 = %scan3A_276#3) -> (vector<16xf32>, vector<16xf32>, vector<16xf32>, vector<16xf32>)  : i32 {
      %mul3A_310 = arith.constant 64 : i32
      %mul3A_311 = arith.muli %scan3A_305, %mul3A_310 : i32
      %add3A_312 = arith.constant 0 : i32
      %add3A_313 = arith.addi %mul3A_311, %add3A_312 : i32
      %add3A_314 = arith.constant 12288 : i32
      %add3A_315 = arith.addi %add3A_314, %add3A_313 : i32
      %get3A = arith.index_cast %add3A_315 : i32 to index
      %get3A_316 = tpu.vector_load %arg7[%get3A] {strides = array<i32>} : memref<16384xi32, #tpu.memory_space<vmem>>, vector<16xi32>,
      %gather3A = tpu.vector_load_idx %arg6[%get3A_316] : memref<100000xf32, #tpu.memory_space<vmem>>[vector<16xi32>], vector<16xf32>,
      %get3A_317 = arith.constant 1 : i32
      %get3A_318 = arith.index_cast %get3A_317 : i32 to index
      %get3A_319 = arith.index_cast %add3A_313 : i32 to index
      %get3A_320 = tpu.vector_load %arg8[%get3A_318, %get3A_319] {strides = array<i32>} : memref<2x4096xf32, #tpu.memory_space<vmem>>, vector<16xf32>,
      %sub3A = arith.subf %get3A_320, %gather3A : vector<16xf32>
      %mul3A_321 = arith.mulf %sub3A, %sub3A : vector<16xf32>
      %add3A_322 = arith.addf %scan3A_306, %mul3A_321 : vector<16xf32>
      %mul3A_323 = arith.constant 64 : i32
      %mul3A_324 = arith.muli %scan3A_305, %mul3A_323 : i32
      %add3A_325 = arith.constant 16 : i32
      %add3A_326 = arith.addi %mul3A_324, %add3A_325 : i32
      %add3A_327 = arith.constant 12288 : i32
      %add3A_328 = arith.addi %add3A_327, %add3A_326 : i32
      %get3A_329 = arith.index_cast %add3A_328 : i32 to index
      %get3A_330 = tpu.vector_load %arg7[%get3A_329] {strides = array<i32>} : memref<16384xi32, #tpu.memory_space<vmem>>, vector<16xi32>,
      %gather3A_331 = tpu.vector_load_idx %arg6[%get3A_330] : memref<100000xf32, #tpu.memory_space<vmem>>[vector<16xi32>], vector<16xf32>,
      %get3A_332 = arith.constant 1 : i32
      %get3A_333 = arith.index_cast %get3A_332 : i32 to index
      %get3A_334 = arith.index_cast %add3A_326 : i32 to index
      %get3A_335 = tpu.vector_load %arg8[%get3A_333, %get3A_334] {strides = array<i32>} : memref<2x4096xf32, #tpu.memory_space<vmem>>, vector<16xf32>,
      %sub3A_336 = arith.subf %get3A_335, %gather3A_331 : vector<16xf32>
      %mul3A_337 = arith.mulf %sub3A_336, %sub3A_336 : vector<16xf32>
      %add3A_338 = arith.addf %scan3A_307, %mul3A_337 : vector<16xf32>
      %mul3A_339 = arith.constant 64 : i32
      %mul3A_340 = arith.muli %scan3A_305, %mul3A_339 : i32
      %add3A_341 = arith.constant 32 : i32
      %add3A_342 = arith.addi %mul3A_340, %add3A_341 : i32
      %add3A_343 = arith.constant 12288 : i32
      %add3A_344 = arith.addi %add3A_343, %add3A_342 : i32
      %get3A_345 = arith.index_cast %add3A_344 : i32 to index
      %get3A_346 = tpu.vector_load %arg7[%get3A_345] {strides = array<i32>} : memref<16384xi32, #tpu.memory_space<vmem>>, vector<16xi32>,
      %gather3A_347 = tpu.vector_load_idx %arg6[%get3A_346] : memref<100000xf32, #tpu.memory_space<vmem>>[vector<16xi32>], vector<16xf32>,
      %get3A_348 = arith.constant 1 : i32
      %get3A_349 = arith.index_cast %get3A_348 : i32 to index
      %get3A_350 = arith.index_cast %add3A_342 : i32 to index
      %get3A_351 = tpu.vector_load %arg8[%get3A_349, %get3A_350] {strides = array<i32>} : memref<2x4096xf32, #tpu.memory_space<vmem>>, vector<16xf32>,
      %sub3A_352 = arith.subf %get3A_351, %gather3A_347 : vector<16xf32>
      %mul3A_353 = arith.mulf %sub3A_352, %sub3A_352 : vector<16xf32>
      %add3A_354 = arith.addf %scan3A_308, %mul3A_353 : vector<16xf32>
      %mul3A_355 = arith.constant 64 : i32
      %mul3A_356 = arith.muli %scan3A_305, %mul3A_355 : i32
      %add3A_357 = arith.constant 48 : i32
      %add3A_358 = arith.addi %mul3A_356, %add3A_357 : i32
      %add3A_359 = arith.constant 12288 : i32
      %add3A_360 = arith.addi %add3A_359, %add3A_358 : i32
      %get3A_361 = arith.index_cast %add3A_360 : i32 to index
      %get3A_362 = tpu.vector_load %arg7[%get3A_361] {strides = array<i32>} : memref<16384xi32, #tpu.memory_space<vmem>>, vector<16xi32>,
      %gather3A_363 = tpu.vector_load_idx %arg6[%get3A_362] : memref<100000xf32, #tpu.memory_space<vmem>>[vector<16xi32>], vector<16xf32>,
      %get3A_364 = arith.constant 1 : i32
      %get3A_365 = arith.index_cast %get3A_364 : i32 to index
      %get3A_366 = arith.index_cast %add3A_358 : i32 to index
      %get3A_367 = tpu.vector_load %arg8[%get3A_365, %get3A_366] {strides = array<i32>} : memref<2x4096xf32, #tpu.memory_space<vmem>>, vector<16xf32>,
      %sub3A_368 = arith.subf %get3A_367, %gather3A_363 : vector<16xf32>
      %mul3A_369 = arith.mulf %sub3A_368, %sub3A_368 : vector<16xf32>
      %add3A_370 = arith.addf %scan3A_309, %mul3A_369 : vector<16xf32>
      scf.yield %add3A_322, %add3A_338, %add3A_354, %add3A_370 : vector<16xf32>, vector<16xf32>, vector<16xf32>, vector<16xf32>
    }
    %scan3A_298 = arith.constant 64 : i32
    %add3A_299 = arith.addf %scan3A_297#0, %scan3A_297#1 : vector<16xf32>
    %add3A_300 = arith.addf %scan3A_297#2, %scan3A_297#3 : vector<16xf32>
    %add3A_301 = arith.addf %add3A_299, %add3A_300 : vector<16xf32>
    %swap3A = arith.constant 0 : index
    %swap3A_302 = tpu.vector_load %arg9[%swap3A] {strides = array<i32>} : memref<16xf32, #tpu.memory_space<vmem>>, vector<16xf32>,
    tpu.vector_store %arg9[%swap3A], %add3A_301 {strides = array<i32>} : memref<16xf32, #tpu.memory_space<vmem>>, vector<16xf32>,
    %mul3A_303 = arith.constant 16 : i32
    %mul3A_304 = arith.muli %add3A, %mul3A_303 : i32
    "tpu.region"() ({
      %run_scoped3A = tpu.sem_alloc : memref<!tpu.dma_semaphore, #tpu.memory_space<semaphore_mem>>
      %dma_start3A_305 = tpu.memref_slice %arg5[%mul3A_304] : memref<512xf32, #tpu.memory_space<hbm>> -> memref<16xf32, #tpu.memory_space<hbm>>
      %dma_start3A_306 = tpu.memref_slice %arg5[%mul3A_304] : memref<512xf32, #tpu.memory_space<hbm>> -> memref<16xf32, #tpu.memory_space<hbm>>
      tpu.enqueue_dma source(%arg9 : memref<16xf32, #tpu.memory_space<vmem>>) target(%dma_start3A_306 : memref<16xf32, #tpu.memory_space<hbm>>) target_semaphore(%run_scoped3A : memref<!tpu.dma_semaphore, #tpu.memory_space<semaphore_mem>>)
      %dma_wait3A_307 = tpu.memref_slice %arg5[%mul3A_304] : memref<512xf32, #tpu.memory_space<hbm>> -> memref<16xf32, #tpu.memory_space<hbm>>
      %dma_wait3A_308 = tpu.memref_slice %arg5[%mul3A_304] : memref<512xf32, #tpu.memory_space<hbm>> -> memref<16xf32, #tpu.memory_space<hbm>>
      tpu.wait_dma2 semaphore(%run_scoped3A : memref<!tpu.dma_semaphore, #tpu.memory_space<semaphore_mem>>) src(%arg9 : memref<16xf32, #tpu.memory_space<vmem>>) dst(%dma_wait3A_308 : memref<16xf32, #tpu.memory_space<hbm>>)
      tpu.yield
    }) : () -> ()
    return
  }
}

module attributes {stable_mosaic.version = 14 : i64} {
  func.func @_tc_reduce_body(%arg0: memref<512xf32, #tpu.memory_space<vmem>>, %arg1: memref<1x1xf32, #tpu.memory_space<vmem>>) attributes {dimension_semantics = [], scalar_prefetch = 0 : i64, scratch_operands = 0 : i64, tpu.core_type = #tpu.core_type<tc>} {
    %get3A = arith.constant 0 : index
    %get3A_0 = vector.load %arg0[%get3A] : memref<512xf32, #tpu.memory_space<vmem>>, vector<512xf32>
    %reduce_sum3A = vector.shape_cast %get3A_0 : vector<512xf32> to vector<1x512xf32>
    %reduce_sum3A_1 = arith.constant dense<0.000000e+00> : vector<1xf32>
    %reduce_sum3A_2 = vector.multi_reduction <add>, %reduce_sum3A, %reduce_sum3A_1 [1] : vector<1x512xf32> to vector<1xf32>
    %reduce_sum3A_3 = vector.shape_cast %reduce_sum3A_2 : vector<1xf32> to vector<1x1xf32>
    %reduce_sum3A_4 = vector.extract %reduce_sum3A_3[0, 0] : f32 from vector<1x1xf32>
    %mul3A = arith.constant 1.22070313E-4 : f32
    %mul3A_5 = arith.mulf %reduce_sum3A_4, %mul3A : f32
    %broadcast_in_dim3A = vector.broadcast %mul3A_5 : f32 to vector<1x1xf32>
    %swap3A = arith.constant 0 : index
    %swap3A_6 = arith.constant 0 : index
    %swap3A_7 = vector.load %arg1[%swap3A, %swap3A_6] : memref<1x1xf32, #tpu.memory_space<vmem>>, vector<1x1xf32>
    tpu.vector_store %arg1[%swap3A, %swap3A_6], %broadcast_in_dim3A {strides = array<i32>} : memref<1x1xf32, #tpu.memory_space<vmem>>, vector<1x1xf32>,
    return
  }
}

</mosaic_0001>

<sc_bundles>
// kernel: kernel.4.cloned.1.call-start
scs
__scs_entry_jumppad:
0x0: {  	(pc) =	sbr.rel $0x88, $3  }
0x1: {  	(tag) =	ssettag $0x0;
	lr =	simm.s32 $0x1  }
0x2: {  	[smem:$0x3F9E] =	sst lr;
	_ =	strace $0xD0000000  }
0x3: {  	_ = 	snop  }
0x4: {  	_ = 	snop  }
0x5: {  	_ = 	snop  }
0x6: {  	_ = 	snop  }
0x7: {  	_ = 	snop  }
__scs_overlays_trampoline_lowered:
0x8: {  	[smem:$0x3FAD] =	sst s0  }
0x9: {  	[smem:$0x3FAE] =	sst s1  }
0xa: {  	[smem:$0x3FAF] =	sst s2  }
0xb: {  	[smem:$0x3FB0] =	sst s3  }
0xc: {  	[smem:$0x3FB1] =	sst s4  }
0xd: {  	[smem:$0x3FB2] =	sst s5  }
0xe: {  	[smem:$0x3FB3] =	sst s6  }
0xf: {  	[smem:$0x3FB4] =	sst s7  }
0x10: {  	[smem:$0x3FB5] =	sst s8  }
0x11: {  	[smem:$0x3FB6] =	sst s9;
	s0 =	simm.s32 @!p0 $0x0  }
0x12: {  	s1 =	sld [smem:$0x3F9C];
	s0 =	simm.s32 @p0 $0x1  }
0x13: {  	[smem:$0x3FB7] =	sst s0;
	s0 =	simm.s32 @!p1 $0x0  }
0x14: {  	s2 =	sld [smem:$0x3F9B];
	s0 =	simm.s32 @p1 $0x1  }
0x15: {  	[smem:$0x3FB8] =	sst s0;
	s0 =	simm.s32 @!p2 $0x0  }
0x16: {  	s3 =	sld [smem:$0x3FDB];
	s0 =	simm.s32 @p2 $0x1  }
0x17: {  	s4 =	simm.s32 $0x1BF5;
	[smem:$0x3FBA] =	sst s0  }
0x18: {  	s0 =	sld [smem:$0x3F9D];
	_ =	swait.ge [sflag:s4], $0x0  }
0x19: {  	s7 =	sld [smem:$0x3F9E]  }
0x1a: {  	s8 =	sadd.s32 $0xFFFFE003, lr  }
0x1b: {  	s9 =	sadd.s32 $0xFFFFFEF7, lr;
	s5 =	simm.s32 $0xFFFFFFFF;
	p2 =	slt.u32 s8, $0xFFFFF086  }
0x1c: {  	p1 =	slt.u32 s9, $0xF7A;
	s5 =	simm.s32 @!p2 $0x0  }
0x1d: {  	s5 =	simm.s32 @p1 $0x1;
	p0 =	seq.s32 s7, s2  }
0x1e: {  	s7 =	smul.u32 @!p0 $0xF7A, s2;
	p2 =	seq.s32 @!p0 s5, $0x0  }
0x1f: {  	s9 =	smul.u32 $0xF7A, s1;
	s8 =	simm.s32 @!p0 $0x1BF5;
	p2 =	por !p2, p0  }
0x20: {  	[sflag:s8] =	ssyncset.s32 @!p0 $0xFFFFF086;
	s6 =	sadd.s32 @!p0 s3, s7;
	s7 =	simm.s32 @!p0 $0x108  }
0x21: {  	s3 =	sadd.s32 s3, s9;
	s6 =	sadd.s32 @!p0 $0x88, s6;
	s7 =	simm.s32 @p2 $0x1082  }
0x22: {  	[simem:s7], [sflag:s8] =	dma.local @!p0 [hbm:s6], $0xF7A  }
0x23: {  	s9 =	sor.u32 $0xD0000000, s2;
	s6 =	simm.s32 $0x108;
	_ =	swait.ge @!p0 [sflag:s8], $0x0  }
0x24: {  	s3 =	sadd.s32 $0x88, s3;
	s6 =	simm.s32 @!p1 $0x1082;
	[sflag:s4] =	ssyncset.s32 $0xFFFFF086  }
0x25: {  	[simem:s6], [sflag:s4] =	dma.local [hbm:s3], $0xF7A  }
0x26: {  	[smem:$0x3F9E] =	sst s1;
	(tag) =	ssettag s2;
	_ =	strace s9  }
0x27: {  	s1 =	sld [smem:$0x3FAE]  }
0x28: {  	s2 =	sld [smem:$0x3FAF]  }
0x29: {  	s4 =	sld [smem:$0x3FB1]  }
0x2a: {  	p0 =	seq.s32 s5, $0x0;
	s5 =	sld [smem:$0x3FB2]  }
0x2b: {  	s6 =	sld [smem:$0x3FB3]  }
0x2c: {  	s7 =	sld [smem:$0x3FB4]  }
0x2d: {  	s3 =	simm.s32 $0x108;
	s8 =	sld [smem:$0x3FB5]  }
0x2e: {  	s3 =	simm.s32 @!p0 $0x1082;
	s9 =	sld [smem:$0x3FB6]  }
0x2f: {  	lr =	sadd.s32 s0, s3;
	s0 =	sld [smem:$0x3FAD]  }
0x30: {  	s3 =	sld [smem:$0x3FB0]  }
0x31: {  	[smem:$0x3FB9] =	sst s10  }
0x32: {  	s10 =	sld [smem:$0x3FB7];
	_ =	sdelay $0x3  }
0x33: {  	p0 =	seq.s32 s10, $0x1;
	s10 =	sld [smem:$0x3FB9];
	_ =	sdelay $0x3  }
0x34: {  	[smem:$0x3FB9] =	sst s10  }
0x35: {  	s10 =	sld [smem:$0x3FB8];
	_ =	sdelay $0x3  }
0x36: {  	p1 =	seq.s32 s10, $0x1;
	s10 =	sld [smem:$0x3FB9];
	_ =	sdelay $0x3  }
0x37: {  	[smem:$0x3FB9] =	sst s10  }
0x38: {  	s10 =	sld [smem:$0x3FBA]  }
0x39: {  	_ = 	snop;
	(pc) =	sbr.ind lr, $3  }
0x3a: {  	_ = 	snop  }
0x3b: {  	_ = 	snop  }
0x3c: {  	p2 =	seq.s32 s10, $0x1;
	s10 =	sld [smem:$0x3FB9]  }
0x3d: {  	_ =	shalt  }
0x3e: {  	_ =	shalt  }
0x3f: {  	_ =	shalt  }
0x40: {  	_ =	shalt  }
0x41: {  	_ =	shalt  }
0x42: {  	_ =	shalt  }
0x43: {  	_ =	shalt  }
0x44: {  	_ =	shalt  }
0x45: {  	_ =	shalt  }
0x46: {  	_ =	shalt  }
0x47: {  	_ =	shalt  }
0x48: {  	_ =	shalt  }
0x49: {  	_ =	shalt  }
0x4a: {  	_ =	shalt  }
0x4b: {  	_ =	shalt  }
0x4c: {  	_ =	shalt  }
0x4d: {  	_ =	shalt  }
0x4e: {  	_ =	shalt  }
0x4f: {  	_ =	shalt  }
0x50: {  	_ =	shalt  }
0x51: {  	_ =	shalt  }
0x52: {  	_ =	shalt  }
0x53: {  	_ =	shalt  }
0x54: {  	_ =	shalt  }
0x55: {  	_ =	shalt  }
0x56: {  	_ =	shalt  }
0x57: {  	_ =	shalt  }
0x58: {  	_ =	shalt  }
0x59: {  	_ =	shalt  }
0x5a: {  	_ =	shalt  }
0x5b: {  	_ =	shalt  }
0x5c: {  	_ =	shalt  }
0x5d: {  	_ =	shalt  }
0x5e: {  	_ =	shalt  }
0x5f: {  	_ =	shalt  }
0x60: {  	_ =	shalt  }
0x61: {  	_ =	shalt  }
0x62: {  	_ =	shalt  }
0x63: {  	_ =	shalt  }
0x64: {  	_ =	shalt  }
0x65: {  	_ =	shalt  }
0x66: {  	_ =	shalt  }
0x67: {  	_ =	shalt  }
0x68: {  	_ =	shalt  }
0x69: {  	_ =	shalt  }
0x6a: {  	_ =	shalt  }
0x6b: {  	_ =	shalt  }
0x6c: {  	_ =	shalt  }
0x6d: {  	_ =	shalt  }
0x6e: {  	_ =	shalt  }
0x6f: {  	_ =	shalt  }
0x70: {  	_ =	shalt  }
0x71: {  	_ =	shalt  }
0x72: {  	_ =	shalt  }
0x73: {  	_ =	shalt  }
0x74: {  	_ =	shalt  }
0x75: {  	_ =	shalt  }
0x76: {  	_ =	shalt  }
0x77: {  	_ =	shalt  }
0x78: {  	_ =	shalt  }
0x79: {  	_ =	shalt  }
0x7a: {  	_ =	shalt  }
0x7b: {  	_ =	shalt  }
0x7c: {  	_ =	shalt  }
0x7d: {  	_ =	shalt  }
0x7e: {  	_ =	shalt  }
0x7f: {  	_ =	shalt  }
0x80: {  	_ =	shalt  }
0x81: {  	_ =	shalt  }
0x82: {  	_ =	shalt  }
0x83: {  	_ =	shalt  }
0x84: {  	_ =	shalt  }
0x85: {  	_ =	shalt  }
0x86: {  	_ =	shalt  }
0x87: {  	_ =	shalt  }
.Lfunc_end0:
.L_simem_size_0:
called_computation_lowered:
.L_overlay_start_0:
0x88: {  	s2 =	sld [smem:$0x3FD9]  }
0x89: {  	s3 =	sld [smem:$0x3FFE];
	_ =	sdelay $0x1  }
0x8a: {  	s1 =	srdreg.scid  }
0x8b: {  	s0 =	sand.u32 $0x1, s1  }
0x8c: {  	s17 =	sshll.u32 s0, $0xA;
	s2 =	sadd.s32 s3, s2  }
0x8d: {  	s2 =	sadd.s32 s2, s17  }
0x8e: {  	[smem:$0x3FC5] =	sst s2  }
0x8f: {  	_ = 	snop  }
0x90: {  	s2 =	sld [smem:$0x3FC9]  }
0x91: {  	s18 =	sld [smem:$0x3FC8]  }
0x92: {  	s4 =	sld [smem:$0x3FC7];
	(tm) =	ssettm $0x1  }
0x93: {  	s5 =	sld [smem:$0x3FFB];
	_ =	sdelay $0x3  }
0x94: {  	_ =	strace s5  }
0x95: {  	s5 =	sld [smem:$0x3FFC];
	_ =	sdelay $0x3  }
0x96: {  	_ =	strace s5  }
0x97: {  	s5 =	sld [smem:$0x3FFD];
	_ =	sdelay $0x3  }
0x98: {  	_ =	strace s5  }
0x99: {  	_ =	strace $0x8FFFFFFF  }
0x9a: {  	s19 =	sld [smem:$0x3FDB];
	_ =	sdelay $0x1  }
0x9b: {  	s6 =	simm.s32 $_scs_section_size  }
0x9c: {  	s7 =	simm.s32 $_size__tile_overlayer_lowered;
	s8 =	simm.s32 $_tile_overlayer_lowered  }
0x9d: {  	s22 =	simm.s32 $0x1BFF;
	s21 =	sshll.u32 s8, $0x1;
	s5 =	sadd.s32 s6, s19  }
0x9e: {  	s9 =	simm.s32 $0x0;
	s20 =	sshll.u32 s7, $0x1;
	s7 =	sadd.s32 s21, s5  }
0x9f: {  	[timem:s9], [sflag:s22] =	dma.local [hbm:s7], s20  }
0xa0: {  	_ =	swait.ge [sflag:s22], s20  }
0xa1: {  	s6 =	ssub.s32 $0x0, s20;
	[sflag:s22] =	ssyncset.done $0x0  }
0xa2: {  	[sflag:s22] =	ssyncadd.s32 s6;
	_ =	sdelay $0x1  }
0xa3: {  	s23 =	simm.s32 $0x1B8B  }
0xa4: {  	_ =	swait.ge [sflag:s23], $0x1  }
0xa5: {  	[sflag:s23] =	ssyncset.done $0x0  }
0xa6: {  	s25 =	simm.s32 $0x1B8E;
	s24 =	sld [smem:$0x3FFE];
	[sflag:s23] =	ssyncadd.s32 $0xFFFFFFFF  }
0xa7: {  	s26 =	simm.s32 $execute0_lowered;
	[smem:$0x3FD2] =	sst s25  }
0xa8: {  	s7 =	sshll.u32 s26, $0x1;
	_ =	strace $0x80000046;
	[dreg:$0x1] =	wrdreg $0xFFFFFFFF  }
0xa9: {  	s28 =	simm.s32 $_size_execute0_lowered;
	s5 =	sadd.s32 s5, s7;
	[dreg:$0x0] =	wrdreg $0x0  }
0xaa: {  	s7 =	sshll.u32 s28, $0x1;
	[dreg:$0x2] =	wrdreg s5  }
0xab: {  	[dreg:$0x3] =	wrdreg s7  }
0xac: {  	[dreg:$0x4] =	wrdreg $0xC0  }
0xad: {  	_ =	task [dreg:s9], $0x5FFFF  }
0xae: {  	[dreg:$0x1] =	wrdreg $0xFFFFFFFF  }
0xaf: {  	[dreg:$0x0] =	wrdreg $0x60  }
0xb0: {  	[dreg:$0x2] =	wrdreg s2  }
0xb1: {  	[dreg:$0x3] =	wrdreg s18  }
0xb2: {  	[dreg:$0x4] =	wrdreg s4  }
0xb3: {  	[dreg:$0x5] =	wrdreg s24  }
0xb4: {  	[dreg:$0x6] =	wrdreg $0x1E7800  }
0xb5: {  	[dreg:$0x7] =	wrdreg $0x9  }
0xb6: {  	_ =	task.clear_ibuf [dreg:s9], $0x8FFFF;
	_ =	strace $0x90000046  }
0xb7: {  	s29 =	simm.s32 $0x9;
	_ =	strace $0x80000048  }
0xb8: {  	_ =	swait.ge [sflag:s29], $0x1  }
0xb9: {  	[sflag:s29] =	ssyncadd.s32 $0xFFFFFFFF  }
0xba: {  	_ =	strace $0x90000048  }
0xbb: {  	_ =	sfence  }
0xbc: {  	s30 =	sld [smem:$0x0];
	_ =	sdelay $0x2  }
0xbd: {  	s31 =	sshll.u32 s1, $0xD;
	s1 =	sshrl.u32 s1, $0x2  }
0xbe: {  	s3 =	sand.u32 $0x4000, s31;
	s1 =	sadd.s32 s1, s30  }
0xbf: {  	s0 =	sor.u32 s3, s0;
	s1 =	sshll.u32 s1, $0x11  }
0xc0: {  	s0 =	sor.u32 s1, s0  }
0xc1: {  	s0 =	sadd.s32 $0x8F2B, s0  }
0xc2: {  	[sflag:s0] =	ssyncadd.remote.s32 $0x1  }
0xc3: {  	_ =	sfence.sel $0xFFFF  }
0xc4: {  	[dreg:$0x0] =	wrdreg $0xFFFFFFFF;
	(pc) =	sbr.abs _section_cstart, $3  }
0xc5: {  	[dreg:$0x1] =	wrdreg $0xFFFFFFFF  }
0xc6: {  	_ =	task.clear_ibuf [dreg:s9], $0x2FFFF;
	_ =	strace $0x9FFFFFFF  }
0xc7: {  	(tm) =	ssettm $0x7FFFFFFF  }
tec
execute0_lowered:
.L_overlay_start_1:
0x0: {  	(tag) =	ssettag $0x1  }
0x1: {  	s0 =	rddreg [dreg:$0x0]  }
0x2: {  	s1 =	rddreg [dreg:$0x1]  }
0x3: {  	s2 =	rddreg [dreg:$0x2]  }
0x4: {  	s4 =	rddreg [dreg:$0x3]  }
0x5: {  	s10 =	rddreg [dreg:$0x4];
	s5 =	srdreg.scid  }
0x6: {  	s9 =	stileid.u32;
	s3 =	simm.s32 $0x0;
	s28 =	simm.s32 $0x0  }
0x7: {  	s5 =	sand.u32 $0x1, s5;
	s6 =	sshll.u32 s9, $0x1;
	[smem:$0x7FF] =	sst s3  }
0x8: {  	s8 =	sshll.u32 s9, $0xA;
	s22 =	sshrl.u32 s9, $0x1;
	s23 =	sshll.u32 s9, $0x7  }
0x9: {  	s26 =	sshll.u32 s9, $0x6;
	s13 =	sadd.s32 $0x1000, s0;
	s14 =	sadd.s32 $0x2000, s0  }
0xa: {  	s15 =	sadd.s32 $0x3000, s0;
	s6 =	sor.u32 s5, s6;
	_ =	strace $0x80000047  }
0xb: {  	s5 =	ssub.s32 $0x2, s5;
	s18 =	sadd.s32 s8, s10;
	s24 =	smul.u32 $0xC3800, s22  }
0xc: {  	s1 =	sadd.s32 s1, s23;
	s11 =	sshll.u32 s22, $0x11;
	s23 =	simm.s32 $0x4  }
0xd: {  	s7 =	sshll.u32 s6, $0x1;
	s21 =	sshrl.u32 s5, $0x1;
	s6 =	sshll.u32 s6, $0x8  }
0xe: {  	[dreg:$0x6] =	wrdreg s1;
	s18 =	sshrl.u32 s18, $0x3;
	s4 =	sadd.s32 s7, s4  }
0xf: {  	s17 =	ssub.s32 s5, s21;
	s25 =	sand.u32 $0x300, s6;
	s5 =	sor.u32 $0x1C02, s26  }
0x10: {  	s21 =	simm.s32 $0x2;
	s6 =	sor.u32 s24, s25;
	s29 =	sor.u32 s11, s25  }
0x11: {  	[dreg:$0x7] =	wrdreg s5;
	s1 =	sor.u32 $0x80, s25;
	s17 =	smax.u32 s17, $0x1  }
0x12: {  	s25 =	simm.s32 $0x3;
	s6 =	sshrl.u32 s6, $0x3;
	s12 =	sshrl.u32 s29, $0x3  }
0x13: {  	s11 =	sor.u32 s11, s1;
	s1 =	sor.u32 s24, s1;
	s24 =	simm.s32 $0x1  }
0x14: {  	s30 =	sadd.s32 s2, s6;
	s7 =	sadd.s32 s0, s12;
	s8 =	sadd.s32 s12, s13  }
0x15: {  	s9 =	sadd.s32 s12, s14;
	s16 =	sshrl.u32 s11, $0x3;
	s1 =	sshrl.u32 s1, $0x3  }
0x16: {  	s10 =	sadd.s32 s12, s15;
	[dreg:$0x8] =	wrdreg s30;
	s11 =	sadd.s32 s0, s16  }
0x17: {  	s31 =	sadd.s32 s2, s1;
	s13 =	sadd.s32 s16, s13;
	s14 =	sadd.s32 s16, s14  }
0x18: {  	s15 =	sadd.s32 s16, s15;
	s16 =	sadd.s32 $0x600, s4;
	[dreg:$0x9] =	wrdreg s31  }
.LBB2_1:
0x19: {  	s0 =	rddreg [dreg:$0x6]  }
0x1a: {  	s1 =	rddreg [dreg:$0x7];
	s31 =	simm.s32 $0x80  }
0x1b: {  	[spmem:s18], [sflag:s1] =	dma.local [hbm:s0], $0x80  }
0x1c: {  	s2 =	simm.s32 $0x400;
	s4 =	sadd.s32 $0x0, s7;
	s0 =	rddreg [dreg:$0x8]  }
0x1d: {  	[tilespmem:s3], [sflag:$0x1] =	stream.strided.gather [hbm4b:s0+s31], $0x18700, s2, s31, $0x38;
	[tilespmem:$0x1EB80] =	vst v63  }
0x1e: {  	s1 =	simm.s32 $0x80;
	s0 =	simm.s32 $0x1C700;
	s2 =	simm.s32 $0x1C800  }
.LBB2_2:
0x1f: {  	[tilespmem:s0], [sflag:$0x3] =	stream.linear.gather [hbm4b:s4+s3], $0x80, $0x38;
	[tilespmem:$0x1EB80] =	vst v63  }
0x20: {  	s4 =	smov.u32 s1;
	s0 =	smov.u32 s2;
	p0 =	sne.s32 s1, $0xF80  }
.Ltmp0:
0x21: {  	s1 =	sadd.s32 $0x80, s1;
	(pc) =	sbr.rel @p0 .LBB2_2-.Ltmp0, $2  }
0x22: {  	_ =	sdelay $0x2  }
0x23: {  	s2 =	sadd.s32 $0x100, s2;
	s4 =	sadd.s32 s4, s7  }
0x24: {  	[tilespmem:s0], [sflag:$0x3] =	stream.linear.gather [hbm4b:s4+s3], $0x80, $0x38;
	[tilespmem:$0x1EB80] =	vst v63  }
0x25: {  	_ =	swait.ge [sflag:s21], $0x80  }
0x26: {  	[sflag:s21] =	ssyncset.done $0x0  }
0x27: {  	[sflag:s21] =	ssyncadd.s32 $0xFFFFFF80  }
0x28: {  	[bflag:$0x0] =	sbarrier.arrive $0xFFFF  }
0x29: {  	s1 =	simm.s32 $0x18700;
	s31 =	rddreg [dreg:$0x4]  }
0x2a: {  	[tilespmem:s1], [sflag:$0x4] =	stream.linear.gather [spmem:s31], $0x4000, $0x38;
	[tilespmem:$0x1EB80] =	vst v63  }
0x2b: {  	_ =	swait.ge [sflag:s23], $0x4000  }
0x2c: {  	[sflag:s23] =	ssyncset.done $0x0  }
0x2d: {  	[sflag:s23] =	ssyncadd.s32 $0xFFFFC000  }
0x2e: {  	_ =	swait.ge [sflag:s24], $0x18700  }
0x2f: {  	s0 =	simm.s32 $0x1C780;
	s4 =	sadd.s32 $0x0, s8;
	[sflag:s24] =	ssyncset.done $0x0  }
0x30: {  	s2 =	simm.s32 $0x1C880;
	s1 =	simm.s32 $0x80;
	[sflag:s24] =	ssyncadd.s32 $0xFFFE7900  }
.LBB2_4:
0x31: {  	[tilespmem:s0], [sflag:$0x3] =	stream.linear.gather [hbm4b:s4+s3], $0x80, $0x38;
	[tilespmem:$0x1EB80] =	vst v63  }
0x32: {  	s4 =	smov.u32 s1;
	s0 =	smov.u32 s2;
	p0 =	sne.s32 s1, $0xF80  }
.Ltmp1:
0x33: {  	s1 =	sadd.s32 $0x80, s1;
	(pc) =	sbr.rel @p0 .LBB2_4-.Ltmp1, $2  }
0x34: {  	_ =	sdelay $0x2  }
0x35: {  	s2 =	sadd.s32 $0x100, s2;
	s4 =	sadd.s32 s4, s8  }
0x36: {  	[tilespmem:s0], [sflag:$0x3] =	stream.linear.gather [hbm4b:s4+s3], $0x80, $0x38;
	[tilespmem:$0x1EB80] =	vst v63  }
0x37: {  	s20 =	simm.s32 $0x0;
	s26 =	simm.s32 $0x18700;
	_ =	swait.ge [sflag:s25], $0x1000  }
0x38: {  	s1 =	sand.u32 $0x40, s20;
	s2 =	sand.u32 $0xF80, s20;
	[sflag:s25] =	ssyncset.done $0x0  }
0x39: {  	s2 =	sadd.s32 $0x18700, s2;
	s22 =	sor.u32 $0x30, s1;
	[sflag:s25] =	ssyncadd.s32 $0xFFFFF000  }
0x3a: {  	s6 =	sor.u32 $0x20, s1;
	s5 =	sor.u32 s22, s2;
	v0 =	vld [tilespmem:s26+$0x0];
	s26 =	sor.u32 $0x10, s1  }
0x3b: {  	s0 =	sand.u32 $0x1F00, s20;
	v1 =	vld [tilespmem:s5+$0x0];
	s29 =	sor.u32 s26, s2;
	s2 =	sor.u32 s6, s2  }
0x3c: {  	s12 =	simm.s32 $0x18740;
	s0 =	sadd.s32 $0x1C700, s0;
	v3 =	vld [tilespmem:s2+$0x0]  }
0x3d: {  	s22 =	sor.u32 s22, s0;
	v4 =	vld [tilespmem:s12+$0x0]  }
0x3e: {  	v5 =	vld [tilespmem:s22+$0x0];
	s1 =	sor.u32 s1, s0  }
0x3f: {  	v12 =	vld [tilespmem:s1+$0x0]  }
0x40: {  	s26 =	sor.u32 s26, s0;
	v2 =	vld [tilespmem:s29+$0x0]  }
0x41: {  	s19 =	simm.s32 $0x40;
	v14 =	vld [tilespmem:s26+$0x0]  }
0x42: {  	s31 =	sand.u32 $0x40, s19;
	s2 =	sand.u32 $0xF80, s19;
	v11 =	vld.idx.msk [tilespmem:v0+s3+$0x0], $0xffff  }
0x43: {  	s20 =	sor.u32 $0x30, s31;
	s2 =	sadd.s32 $0x18700, s2;
	v1 =	vld.idx.msk [tilespmem:v1+s3+$0x0], $0xffff  }
0x44: {  	s5 =	sor.u32 $0x10, s31;
	s30 =	sor.u32 s20, s2;
	v0 =	vld.idx.msk [tilespmem:v3+s3+$0x0], $0xffff  }
0x45: {  	s29 =	sor.u32 $0x20, s31;
	s19 =	sor.u32 s5, s2;
	v3 =	vld [tilespmem:s30+$0x0]  }
0x46: {  	s2 =	sor.u32 s29, s2;
	v8 =	vld [tilespmem:s19+$0x0]  }
0x47: {  	v6 =	vld [tilespmem:s2+$0x0]  }
0x48: {  	s6 =	sor.u32 s6, s0;
	v13 =	vld.idx.msk [tilespmem:v2+s3+$0x0], $0xffff;
	s30 =	simm.s32 $0x80  }
0x49: {  	s0 =	simm.s32 $0x18780;
	v9 =	vld [tilespmem:s6+$0x0];
	s12 =	sand.u32 $0x1F00, s30;
	v1 =	vsub.f32 v5, v1  }
0x4a: {  	v10 =	vld [tilespmem:s0+$0x0];
	s26 =	sadd.s32 $0x1C700, s12  }
0x4b: {  	s19 =	simm.s32 $0x80;
	v5 =	vld.idx.msk [tilespmem:v4+s3+$0x0], $0xffff;
	s20 =	sor.u32 s20, s26;
	v1 =	vmul.f32 v1, v1  }
0x4c: {  	s22 =	simm.s32 $0xC0;
	s4 =	sand.u32 $0xF80, s19;
	v2 =	vimm.f32 $0.0e+00;
	v12 =	vsub.f32 v12, v11;
	v4 =	vimm.f32 $0.0e+00;
	v11 =	vld [tilespmem:s20+$0x0]  }
0x4d: {  	s2 =	sor.u32 s31, s26;
	s1 =	sor.u32 s5, s26;
	s31 =	sand.u32 $0x40, s19;
	v13 =	vsub.f32 v14, v13;
	v1 =	vadd.f32 v1, v2;
	v7 =	vld.idx.msk [tilespmem:v3+s3+$0x0], $0xffff;
	v3 =	vimm.f32 $0.0e+00  }
.LBB2_6:
0x4e: {  	p0 =	sne.s32 s22, $0xFC0;
	s4 =	sadd.s32 $0x18700, s4;
	s5 =	sor.u32 $0x30, s31;
	v14 =	vld.idx.msk [tilespmem:v8+s3+$0x0], $0xffff;
	v8 =	vmul.f32 v12, v12;
	v9 =	vsub.f32 v9, v0  }
0x4f: {  	s19 =	sor.u32 $0x10, s31;
	s6 =	sor.u32 $0x20, s31;
	s20 =	sor.u32 s5, s4;
	v0 =	vld.idx.msk [tilespmem:v6+s3+$0x0], $0xffff;
	v6 =	vmul.f32 v13, v13;
	v12 =	vmov v10  }
0x50: {  	s12 =	sor.u32 s19, s4;
	s4 =	sor.u32 s6, s4;
	v13 =	vld [tilespmem:s20+$0x0];
	s20 =	sor.u32 s29, s26;
	v2 =	vadd.f32 v8, v2;
	v9 =	vmul.f32 v9, v9  }
0x51: {  	v15 =	vmov v5;
	s29 =	smov.u32 s6;
	v8 =	vld [tilespmem:s12+$0x0];
	v3 =	vadd.f32 v6, v3  }
0x52: {  	v6 =	vld [tilespmem:s4+$0x0];
	v5 =	vsub.f32 v11, v7;
	v4 =	vadd.f32 v9, v4  }
0x53: {  	v11 =	vld [tilespmem:s2+$0x0]  }
0x54: {  	v16 =	vld [tilespmem:s1+$0x0];
	v5 =	vmul.f32 v5, v5  }
.Ltmp2:
0x55: {  	s0 =	sadd.s32 $0x40, s0;
	s30 =	sadd.s32 $0x80, s30;
	v9 =	vld [tilespmem:s20+$0x0];
	(pc) =	sbr.rel @p0 .LBB2_6-.Ltmp2, $4  }
0x56: {  	s1 =	sand.u32 $0x1F00, s30;
	v10 =	vld [tilespmem:s0+$0x0];
	v1 =	vadd.f32 v5, v1  }
0x57: {  	s26 =	sadd.s32 $0x1C700, s1;
	v5 =	vld.idx.msk [tilespmem:v12+s3+$0x0], $0xffff  }
0x58: {  	s2 =	sor.u32 s31, s26;
	s1 =	sor.u32 s19, s26;
	s5 =	sor.u32 s5, s26;
	v7 =	vld.idx.msk [tilespmem:v13+s3+$0x0], $0xffff;
	v12 =	vsub.f32 v11, v15  }
0x59: {  	s4 =	sand.u32 $0xF80, s22;
	s31 =	sand.u32 $0x40, s22;
	s22 =	sadd.s32 $0x40, s22;
	v11 =	vld [tilespmem:s5+$0x0];
	v13 =	vsub.f32 v16, v14  }
0x5a: {  	_ =	sdelay $0x3  }
0x5b: {  	v8 =	vld.idx.msk [tilespmem:v8+s3+$0x0], $0xffff  }
0x5c: {  	v6 =	vld.idx.msk [tilespmem:v6+s3+$0x0], $0xffff  }
0x5d: {  	v17 =	vld [tilespmem:s2+$0x0]  }
0x5e: {  	s0 =	sadd.s32 $0x18700, s4;
	s4 =	sor.u32 $0x30, s31;
	s20 =	sor.u32 s29, s26;
	v18 =	vld [tilespmem:s1+$0x0]  }
0x5f: {  	s6 =	sor.u32 $0x10, s31;
	s5 =	sor.u32 s4, s0;
	v19 =	vld [tilespmem:s20+$0x0]  }
0x60: {  	s19 =	sor.u32 $0x20, s31;
	s22 =	sadd.s32 $0x80, s30;
	s12 =	sor.u32 s6, s0;
	v14 =	vld [tilespmem:s5+$0x0]  }
0x61: {  	s0 =	sor.u32 s19, s0;
	s26 =	sand.u32 $0x1F00, s22;
	v15 =	vld [tilespmem:s12+$0x0]  }
0x62: {  	v16 =	vld [tilespmem:s0+$0x0];
	s0 =	sadd.s32 $0x1C700, s26  }
0x63: {  	v10 =	vld.idx.msk [tilespmem:v10+s3+$0x0], $0xffff;
	s29 =	sor.u32 s4, s0  }
0x64: {  	s30 =	sor.u32 s31, s0;
	v20 =	vld [tilespmem:s29+$0x0]  }
0x65: {  	s31 =	sor.u32 s6, s0;
	v57 =	vld [tilespmem:s30+$0x0]  }
0x66: {  	s0 =	sor.u32 s19, s0;
	v58 =	vld [tilespmem:s31+$0x0]  }
0x67: {  	v0 =	vsub.f32 v9, v0;
	v59 =	vld [tilespmem:s0+$0x0]  }
0x68: {  	v12 =	vmul.f32 v12, v12;
	v13 =	vmul.f32 v13, v13;
	v14 =	vld.idx.msk [tilespmem:v14+s3+$0x0], $0xffff  }
0x69: {  	v0 =	vmul.f32 v0, v0;
	v7 =	vsub.f32 v11, v7;
	v5 =	vsub.f32 v17, v5;
	v15 =	vld.idx.msk [tilespmem:v15+s3+$0x0], $0xffff  }
0x6a: {  	v2 =	vadd.f32 v12, v2;
	v3 =	vadd.f32 v13, v3;
	v56 =	vld.idx.msk [tilespmem:v16+s3+$0x0], $0xffff  }
0x6b: {  	v0 =	vadd.f32 v0, v4;
	v7 =	vmul.f32 v7, v7;
	v4 =	vmul.f32 v5, v5  }
0x6c: {  	v6 =	vsub.f32 v19, v6;
	v5 =	vsub.f32 v18, v8  }
0x6d: {  	v1 =	vadd.f32 v7, v1;
	v2 =	vadd.f32 v4, v2  }
0x6e: {  	v4 =	vmul.f32 v5, v5;
	v60 =	vsub.f32 v57, v10;
	v5 =	vsub.f32 v20, v14  }
0x6f: {  	v6 =	vmul.f32 v6, v6;
	v61 =	vsub.f32 v58, v15;
	v9 =	vsub.f32 v59, v56  }
0x70: {  	v3 =	vadd.f32 v4, v3;
	v4 =	vmul.f32 v5, v5;
	v5 =	vmul.f32 v60, v60  }
0x71: {  	v6 =	vadd.f32 v6, v0;
	v62 =	vmul.f32 v61, v61;
	v63 =	vmul.f32 v9, v9  }
0x72: {  	s1 =	simm.s32 $0x80;
	v0 =	vadd.f32 v4, v1;
	v2 =	vadd.f32 v5, v2  }
0x73: {  	s2 =	simm.s32 $0x1C800;
	s4 =	sadd.s32 $0x0, s9;
	s0 =	simm.s32 $0x1C700;
	v3 =	vadd.f32 v62, v3;
	v1 =	vadd.f32 v63, v6  }
.LBB2_8:
0x74: {  	[tilespmem:s0], [sflag:$0x3] =	stream.linear.gather [hbm4b:s4+s3], $0x80, $0x38;
	[tilespmem:$0x1EB80] =	vst v63  }
0x75: {  	s4 =	smov.u32 s1;
	s0 =	smov.u32 s2;
	p0 =	sne.s32 s1, $0xF80  }
.Ltmp3:
0x76: {  	s1 =	sadd.s32 $0x80, s1;
	(pc) =	sbr.rel @p0 .LBB2_8-.Ltmp3, $2  }
0x77: {  	_ =	sdelay $0x2  }
0x78: {  	s2 =	sadd.s32 $0x100, s2;
	s4 =	sadd.s32 s4, s9  }
0x79: {  	[tilespmem:s0], [sflag:$0x3] =	stream.linear.gather [hbm4b:s4+s3], $0x80, $0x38;
	[tilespmem:$0x1EB80] =	vst v63  }
0x7a: {  	_ =	swait.ge [sflag:s25], $0x1000  }
0x7b: {  	[sflag:s25] =	ssyncset.done $0x0  }
0x7c: {  	s26 =	simm.s32 $0x19730;
	[sflag:s25] =	ssyncadd.s32 $0xFFFFF000  }
0x7d: {  	s29 =	simm.s32 $0x0;
	v4 =	vld [tilespmem:s26+$0xFFFFFFE0]  }
0x7e: {  	s30 =	sand.u32 $0xFC0, s29;
	v10 =	vld [tilespmem:s26+$0x0]  }
0x7f: {  	p0 =	por $0x0, $0x0;
	s1 =	simm.s32 $0x1;
	v11 =	vld [tilespmem:s30+$0x19700]  }
0x80: {  	s0 =	simm.s32 $0x19770;
	s1 =	simm.s32 @!p0 $0x0;
	v5 =	vld [tilespmem:s26+$0xFFFFFFF0]  }
0x81: {  	s1 =	sshll.u32 s1, $0x6;
	v8 =	vld [tilespmem:s0+$0xFFFFFFE0]  }
0x82: {  	s1 =	sadd.s32 $0x0, s1;
	v9 =	vld [tilespmem:s0+$0xFFFFFFF0]  }
0x83: {  	v7 =	vld [tilespmem:s0+$0x0];
	s31 =	sor.u32 $0x90, s1  }
0x84: {  	v13 =	vld [tilespmem:s31+$0x1C700]  }
0x85: {  	v6 =	vld.idx.msk [tilespmem:v4+s3+$0x0], $0xffff  }
0x86: {  	v4 =	vld.idx.msk [tilespmem:v10+s3+$0x0], $0xffff  }
0x87: {  	s2 =	sor.u32 $0x80, s1;
	v10 =	vld.idx.msk [tilespmem:v11+s3+$0x0], $0xffff  }
0x88: {  	s6 =	sor.u32 $0xA0, s1;
	v11 =	vld [tilespmem:s2+$0x1C700]  }
0x89: {  	s5 =	simm.s32 $0x40;
	v12 =	vld [tilespmem:s6+$0x1C700]  }
0x8a: {  	s4 =	sand.u32 $0xFC0, s5;
	v5 =	vld.idx.msk [tilespmem:v5+s3+$0x0], $0xffff;
	s2 =	sor.u32 $0xB0, s1;
	s1 =	simm.s32 $0x80  }
.LBB2_10:
0x8b: {  	p1 =	sne.s32 s1, $0xFC0;
	v14 =	vld [tilespmem:s4+$0x19700]  }
0x8c: {  	s0 =	sadd.s32 $0x40, s0;
	v15 =	vld [tilespmem:s2+$0x1C700]  }
0x8d: {  	v16 =	vld [tilespmem:s0+$0xFFFFFFE0];
	v10 =	vsub.f32 v11, v10  }
0x8e: {  	v11 =	vld [tilespmem:s0+$0xFFFFFFF0];
	v13 =	vsub.f32 v13, v6  }
0x8f: {  	p0 =	por !p0, !p0;
	s2 =	simm.s32 $0x1;
	v17 =	vld [tilespmem:s0+$0x0];
	v10 =	vmul.f32 v10, v10;
	v12 =	vsub.f32 v12, v5  }
0x90: {  	s2 =	simm.s32 @!p0 $0x0;
	v6 =	vld.idx.msk [tilespmem:v8+s3+$0x0], $0xffff;
	v13 =	vmul.f32 v13, v13  }
0x91: {  	s29 =	sadd.s32 $0x80, s29;
	s2 =	sshll.u32 s2, $0x6;
	v5 =	vld.idx.msk [tilespmem:v9+s3+$0x0], $0xffff;
	v2 =	vadd.f32 v10, v2;
	v18 =	vmul.f32 v12, v12;
	v12 =	vsub.f32 v15, v4  }
.Ltmp4:
0x92: {  	s2 =	sadd.s32 s2, s29;
	v4 =	vld.idx.msk [tilespmem:v7+s3+$0x0], $0xffff;
	v3 =	vadd.f32 v13, v3;
	v8 =	vmov v16;
	(pc) =	sbr.rel @p1 .LBB2_10-.Ltmp4, $4  }
0x93: {  	s4 =	sor.u32 $0x80, s2;
	s5 =	sor.u32 $0x90, s2;
	s6 =	sor.u32 $0xA0, s2;
	v10 =	vld.idx.msk [tilespmem:v14+s3+$0x0], $0xffff;
	v1 =	vadd.f32 v18, v1;
	v12 =	vmul.f32 v12, v12;
	v9 =	vmov v11  }
0x94: {  	s2 =	sor.u32 $0xB0, s2;
	v11 =	vld [tilespmem:s4+$0x1C700];
	v7 =	vmov v17  }
0x95: {  	v13 =	vld [tilespmem:s5+$0x1C700];
	v0 =	vadd.f32 v12, v0  }
0x96: {  	s4 =	sand.u32 $0xFC0, s1;
	s1 =	sadd.s32 $0x40, s1;
	v12 =	vld [tilespmem:s6+$0x1C700]  }
0x97: {  	_ =	sdelay $0x1  }
0x98: {  	v14 =	vld [tilespmem:s4+$0x19700];
	p0 =	por !p0, !p0;
	s0 =	simm.s32 $0x1  }
0x99: {  	v15 =	vld [tilespmem:s2+$0x1C700];
	s0 =	simm.s32 @!p0 $0x0  }
0x9a: {  	v8 =	vld.idx.msk [tilespmem:v8+s3+$0x0], $0xffff;
	s1 =	sadd.s32 $0x80, s29;
	s0 =	sshll.u32 s0, $0x6  }
0x9b: {  	v9 =	vld.idx.msk [tilespmem:v9+s3+$0x0], $0xffff;
	s0 =	sadd.s32 s0, s1  }
0x9c: {  	v7 =	vld.idx.msk [tilespmem:v7+s3+$0x0], $0xffff;
	s1 =	sor.u32 $0x80, s0  }
0x9d: {  	s30 =	sor.u32 $0x90, s0;
	v16 =	vld [tilespmem:s1+$0x1C700]  }
0x9e: {  	v6 =	vsub.f32 v13, v6;
	s31 =	sor.u32 $0xA0, s0;
	v62 =	vld [tilespmem:s30+$0x1C700]  }
0x9f: {  	s0 =	sor.u32 $0xB0, s0;
	v63 =	vld [tilespmem:s31+$0x1C700]  }
0xa0: {  	v5 =	vsub.f32 v12, v5;
	v17 =	vld [tilespmem:s0+$0x1C700];
	v6 =	vmul.f32 v6, v6  }
0xa1: {  	v14 =	vld.idx.msk [tilespmem:v14+s3+$0x0], $0xffff  }
0xa2: {  	v6 =	vadd.f32 v6, v3;
	v3 =	vmul.f32 v5, v5  }
0xa3: {  	v4 =	vsub.f32 v15, v4  }
0xa4: {  	v10 =	vsub.f32 v11, v10;
	v1 =	vadd.f32 v3, v1  }
0xa5: {  	v4 =	vmul.f32 v4, v4;
	v9 =	vsub.f32 v63, v9;
	v7 =	vsub.f32 v17, v7  }
0xa6: {  	v10 =	vmul.f32 v10, v10;
	v8 =	vsub.f32 v62, v8;
	v5 =	vsub.f32 v16, v14  }
0xa7: {  	v0 =	vadd.f32 v4, v0;
	v4 =	vmul.f32 v9, v9;
	v7 =	vmul.f32 v7, v7  }
0xa8: {  	v2 =	vadd.f32 v10, v2;
	v3 =	vmul.f32 v5, v5;
	v5 =	vmul.f32 v8, v8  }
0xa9: {  	s4 =	sadd.s32 $0x0, s10;
	v1 =	vadd.f32 v4, v1;
	v0 =	vadd.f32 v7, v0  }
0xaa: {  	s2 =	simm.s32 $0x1C880;
	s0 =	simm.s32 $0x1C780;
	s1 =	simm.s32 $0x80;
	v3 =	vadd.f32 v3, v2;
	v2 =	vadd.f32 v5, v6  }
.LBB2_12:
0xab: {  	[tilespmem:s0], [sflag:$0x3] =	stream.linear.gather [hbm4b:s4+s3], $0x80, $0x38;
	[tilespmem:$0x1EB80] =	vst v63  }
0xac: {  	s4 =	smov.u32 s1;
	s0 =	smov.u32 s2;
	p0 =	sne.s32 s1, $0xF80  }
.Ltmp5:
0xad: {  	s1 =	sadd.s32 $0x80, s1;
	(pc) =	sbr.rel @p0 .LBB2_12-.Ltmp5, $2  }
0xae: {  	_ =	sdelay $0x2  }
0xaf: {  	s2 =	sadd.s32 $0x100, s2;
	s4 =	sadd.s32 s4, s10  }
0xb0: {  	[tilespmem:s0], [sflag:$0x3] =	stream.linear.gather [hbm4b:s4+s3], $0x80, $0x38;
	[tilespmem:$0x1EB80] =	vst v63  }
0xb1: {  	_ =	swait.ge [sflag:s25], $0x1000  }
0xb2: {  	[sflag:s25] =	ssyncset.done $0x0  }
0xb3: {  	s1 =	simm.s32 $0x1A730;
	[sflag:s25] =	ssyncadd.s32 $0xFFFFF000  }
0xb4: {  	v4 =	vld [tilespmem:s1+$0xFFFFFFE0]  }
0xb5: {  	s0 =	simm.s32 $0x0;
	v5 =	vld [tilespmem:s1+$0xFFFFFFF0]  }
0xb6: {  	s30 =	sand.u32 $0xFC0, s0;
	s2 =	sand.u32 $0x40, s0;
	s31 =	sand.u32 $0x1F00, s0;
	v10 =	vld [tilespmem:s1+$0x0]  }
0xb7: {  	s2 =	sor.u32 s2, s31;
	v11 =	vld [tilespmem:s30+$0x1A700]  }
0xb8: {  	s26 =	sadd.s32 $0x1C700, s2;
	v12 =	vld [tilespmem:s2+$0x1C700]  }
0xb9: {  	s1 =	simm.s32 $0x1A770;
	v13 =	vld [tilespmem:s26+$0x10]  }
0xba: {  	v8 =	vld [tilespmem:s1+$0xFFFFFFE0]  }
0xbb: {  	v9 =	vld [tilespmem:s1+$0xFFFFFFF0]  }
0xbc: {  	v6 =	vld.idx.msk [tilespmem:v4+s3+$0x0], $0xffff  }
0xbd: {  	v4 =	vld.idx.msk [tilespmem:v5+s3+$0x0], $0xffff  }
0xbe: {  	v5 =	vld.idx.msk [tilespmem:v10+s3+$0x0], $0xffff  }
0xbf: {  	v10 =	vld.idx.msk [tilespmem:v11+s3+$0x0], $0xffff  }
0xc0: {  	s22 =	simm.s32 $0x40;
	v7 =	vld [tilespmem:s1+$0x0]  }
0xc1: {  	s4 =	sand.u32 $0xFC0, s22;
	s2 =	simm.s32 $0x80;
	v11 =	vld [tilespmem:s26+$0x20]  }
.LBB2_14:
0xc2: {  	p0 =	sne.s32 s2, $0xFC0;
	v14 =	vld [tilespmem:s4+$0x1A700]  }
0xc3: {  	s1 =	sadd.s32 $0x40, s1;
	v15 =	vld [tilespmem:s26+$0x30]  }
0xc4: {  	v16 =	vld [tilespmem:s1+$0xFFFFFFE0];
	v10 =	vsub.f32 v12, v10  }
0xc5: {  	v12 =	vld [tilespmem:s1+$0xFFFFFFF0];
	v13 =	vsub.f32 v13, v6  }
0xc6: {  	v17 =	vld [tilespmem:s1+$0x0];
	v10 =	vmul.f32 v10, v10;
	v11 =	vsub.f32 v11, v4  }
0xc7: {  	v6 =	vld.idx.msk [tilespmem:v8+s3+$0x0], $0xffff;
	v13 =	vmul.f32 v13, v13  }
0xc8: {  	s0 =	sadd.s32 $0x80, s0;
	v4 =	vld.idx.msk [tilespmem:v9+s3+$0x0], $0xffff;
	v3 =	vadd.f32 v10, v3;
	v18 =	vmul.f32 v11, v11;
	v11 =	vsub.f32 v15, v5  }
.Ltmp6:
0xc9: {  	s4 =	sand.u32 $0x40, s22;
	s5 =	sand.u32 $0x1F00, s0;
	v5 =	vld.idx.msk [tilespmem:v7+s3+$0x0], $0xffff;
	v2 =	vadd.f32 v13, v2;
	v8 =	vmov v16;
	(pc) =	sbr.rel @p0 .LBB2_14-.Ltmp6, $4  }
0xca: {  	s22 =	smov.u32 s2;
	s4 =	sor.u32 s4, s5;
	v10 =	vld.idx.msk [tilespmem:v14+s3+$0x0], $0xffff;
	v1 =	vadd.f32 v18, v1;
	v11 =	vmul.f32 v11, v11;
	v9 =	vmov v12  }
0xcb: {  	s26 =	sadd.s32 $0x1C700, s4;
	v12 =	vld [tilespmem:s4+$0x1C700];
	v7 =	vmov v17  }
0xcc: {  	v13 =	vld [tilespmem:s26+$0x10];
	v0 =	vadd.f32 v11, v0  }
0xcd: {  	s2 =	sadd.s32 $0x40, s2;
	s4 =	sand.u32 $0xFC0, s22;
	v11 =	vld [tilespmem:s26+$0x20]  }
0xce: {  	_ =	sdelay $0x1  }
0xcf: {  	v14 =	vld [tilespmem:s4+$0x1A700]  }
0xd0: {  	v15 =	vld [tilespmem:s26+$0x30]  }
0xd1: {  	v8 =	vld.idx.msk [tilespmem:v8+s3+$0x0], $0xffff;
	s0 =	sadd.s32 $0x80, s0  }
0xd2: {  	v9 =	vld.idx.msk [tilespmem:v9+s3+$0x0], $0xffff;
	s1 =	sand.u32 $0x40, s22;
	s0 =	sand.u32 $0x1F00, s0  }
0xd3: {  	v7 =	vld.idx.msk [tilespmem:v7+s3+$0x0], $0xffff;
	s0 =	sor.u32 s1, s0  }
0xd4: {  	s1 =	sadd.s32 $0x1C700, s0;
	v16 =	vld [tilespmem:s0+$0x1C700]  }
0xd5: {  	v60 =	vld [tilespmem:s1+$0x10]  }
0xd6: {  	v61 =	vld [tilespmem:s1+$0x20]  }
0xd7: {  	v6 =	vsub.f32 v13, v6;
	v17 =	vld [tilespmem:s1+$0x30];
	v4 =	vsub.f32 v11, v4  }
0xd8: {  	v14 =	vld.idx.msk [tilespmem:v14+s3+$0x0], $0xffff  }
0xd9: {  	v6 =	vmul.f32 v6, v6;
	v4 =	vmul.f32 v4, v4  }
0xda: {  	v10 =	vsub.f32 v12, v10;
	v5 =	vsub.f32 v15, v5  }
0xdb: {  	v2 =	vadd.f32 v6, v2;
	v1 =	vadd.f32 v4, v1  }
0xdc: {  	v5 =	vmul.f32 v5, v5;
	v8 =	vsub.f32 v60, v8;
	v9 =	vsub.f32 v61, v9  }
0xdd: {  	v10 =	vmul.f32 v10, v10;
	v7 =	vsub.f32 v17, v7;
	v62 =	vsub.f32 v16, v14  }
0xde: {  	v0 =	vadd.f32 v5, v0;
	v63 =	vmul.f32 v8, v8;
	v5 =	vmul.f32 v9, v9  }
0xdf: {  	v3 =	vadd.f32 v10, v3;
	v7 =	vmul.f32 v7, v7;
	v4 =	vmul.f32 v62, v62  }
0xe0: {  	s4 =	sadd.s32 $0x0, s11;
	v2 =	vadd.f32 v63, v2;
	v1 =	vadd.f32 v5, v1  }
0xe1: {  	s2 =	simm.s32 $0x1C800;
	s0 =	simm.s32 $0x1C700;
	s1 =	simm.s32 $0x80;
	v0 =	vadd.f32 v7, v0;
	v3 =	vadd.f32 v4, v3  }
.LBB2_16:
0xe2: {  	[tilespmem:s0], [sflag:$0x3] =	stream.linear.gather [hbm4b:s4+s3], $0x80, $0x38;
	[tilespmem:$0x1EB80] =	vst v63  }
0xe3: {  	s4 =	smov.u32 s1;
	s0 =	smov.u32 s2;
	p0 =	sne.s32 s1, $0xF80  }
.Ltmp7:
0xe4: {  	s1 =	sadd.s32 $0x80, s1;
	(pc) =	sbr.rel @p0 .LBB2_16-.Ltmp7, $2  }
0xe5: {  	_ =	sdelay $0x2  }
0xe6: {  	s2 =	sadd.s32 $0x100, s2;
	s4 =	sadd.s32 s4, s11  }
0xe7: {  	[tilespmem:s0], [sflag:$0x3] =	stream.linear.gather [hbm4b:s4+s3], $0x80, $0x38;
	[tilespmem:$0x1EB80] =	vst v63  }
0xe8: {  	_ =	swait.ge [sflag:s25], $0x1000  }
0xe9: {  	[sflag:s25] =	ssyncset.done $0x0  }
0xea: {  	s26 =	simm.s32 $0x1B730;
	[sflag:s25] =	ssyncadd.s32 $0xFFFFF000  }
0xeb: {  	s29 =	simm.s32 $0x0;
	v4 =	vld [tilespmem:s26+$0xFFFFFFE0]  }
0xec: {  	s30 =	sand.u32 $0xFC0, s29;
	v10 =	vld [tilespmem:s26+$0x0]  }
0xed: {  	p0 =	por $0x0, $0x0;
	s1 =	simm.s32 $0x1;
	v11 =	vld [tilespmem:s30+$0x1B700]  }
0xee: {  	s0 =	simm.s32 $0x1B770;
	s1 =	simm.s32 @!p0 $0x0;
	v5 =	vld [tilespmem:s26+$0xFFFFFFF0]  }
0xef: {  	s1 =	sshll.u32 s1, $0x6;
	v8 =	vld [tilespmem:s0+$0xFFFFFFE0]  }
0xf0: {  	s1 =	sadd.s32 $0x0, s1;
	v9 =	vld [tilespmem:s0+$0xFFFFFFF0]  }
0xf1: {  	v7 =	vld [tilespmem:s0+$0x0];
	s31 =	sor.u32 $0x90, s1  }
0xf2: {  	v13 =	vld [tilespmem:s31+$0x1C700]  }
0xf3: {  	v6 =	vld.idx.msk [tilespmem:v4+s3+$0x0], $0xffff  }
0xf4: {  	v4 =	vld.idx.msk [tilespmem:v10+s3+$0x0], $0xffff  }
0xf5: {  	s2 =	sor.u32 $0x80, s1;
	v10 =	vld.idx.msk [tilespmem:v11+s3+$0x0], $0xffff  }
0xf6: {  	s6 =	sor.u32 $0xA0, s1;
	v11 =	vld [tilespmem:s2+$0x1C700]  }
0xf7: {  	s5 =	simm.s32 $0x40;
	v12 =	vld [tilespmem:s6+$0x1C700]  }
0xf8: {  	s4 =	sand.u32 $0xFC0, s5;
	v5 =	vld.idx.msk [tilespmem:v5+s3+$0x0], $0xffff;
	s2 =	sor.u32 $0xB0, s1;
	s1 =	simm.s32 $0x80  }
.LBB2_18:
0xf9: {  	p1 =	sne.s32 s1, $0xFC0;
	v14 =	vld [tilespmem:s4+$0x1B700]  }
0xfa: {  	s0 =	sadd.s32 $0x40, s0;
	v15 =	vld [tilespmem:s2+$0x1C700]  }
0xfb: {  	v16 =	vld [tilespmem:s0+$0xFFFFFFE0];
	v10 =	vsub.f32 v11, v10  }
0xfc: {  	v11 =	vld [tilespmem:s0+$0xFFFFFFF0];
	v13 =	vsub.f32 v13, v6  }
0xfd: {  	p0 =	por !p0, !p0;
	s2 =	simm.s32 $0x1;
	v17 =	vld [tilespmem:s0+$0x0];
	v10 =	vmul.f32 v10, v10;
	v12 =	vsub.f32 v12, v5  }
0xfe: {  	s2 =	simm.s32 @!p0 $0x0;
	v6 =	vld.idx.msk [tilespmem:v8+s3+$0x0], $0xffff;
	v13 =	vmul.f32 v13, v13  }
0xff: {  	s29 =	sadd.s32 $0x80, s29;
	s2 =	sshll.u32 s2, $0x6;
	v5 =	vld.idx.msk [tilespmem:v9+s3+$0x0], $0xffff;
	v3 =	vadd.f32 v10, v3;
	v18 =	vmul.f32 v12, v12;
	v12 =	vsub.f32 v15, v4  }
.Ltmp8:
0x100: {  	s2 =	sadd.s32 s2, s29;
	v4 =	vld.idx.msk [tilespmem:v7+s3+$0x0], $0xffff;
	v2 =	vadd.f32 v13, v2;
	v8 =	vmov v16;
	(pc) =	sbr.rel @p1 .LBB2_18-.Ltmp8, $4  }
0x101: {  	s4 =	sor.u32 $0x80, s2;
	s5 =	sor.u32 $0x90, s2;
	s6 =	sor.u32 $0xA0, s2;
	v10 =	vld.idx.msk [tilespmem:v14+s3+$0x0], $0xffff;
	v1 =	vadd.f32 v18, v1;
	v12 =	vmul.f32 v12, v12;
	v9 =	vmov v11  }
0x102: {  	s2 =	sor.u32 $0xB0, s2;
	v11 =	vld [tilespmem:s4+$0x1C700];
	v7 =	vmov v17  }
0x103: {  	v13 =	vld [tilespmem:s5+$0x1C700];
	v0 =	vadd.f32 v12, v0  }
0x104: {  	s4 =	sand.u32 $0xFC0, s1;
	s1 =	sadd.s32 $0x40, s1;
	v12 =	vld [tilespmem:s6+$0x1C700]  }
0x105: {  	_ =	sdelay $0x1  }
0x106: {  	v14 =	vld [tilespmem:s4+$0x1B700];
	p0 =	por !p0, !p0;
	s0 =	simm.s32 $0x1  }
0x107: {  	v15 =	vld [tilespmem:s2+$0x1C700];
	s0 =	simm.s32 @!p0 $0x0  }
0x108: {  	v8 =	vld.idx.msk [tilespmem:v8+s3+$0x0], $0xffff;
	s1 =	sadd.s32 $0x80, s29;
	s0 =	sshll.u32 s0, $0x6  }
0x109: {  	v9 =	vld.idx.msk [tilespmem:v9+s3+$0x0], $0xffff;
	s0 =	sadd.s32 s0, s1  }
0x10a: {  	v7 =	vld.idx.msk [tilespmem:v7+s3+$0x0], $0xffff;
	s1 =	sor.u32 $0x80, s0  }
0x10b: {  	s20 =	sor.u32 $0x90, s0;
	v16 =	vld [tilespmem:s1+$0x1C700]  }
0x10c: {  	s22 =	sor.u32 $0xA0, s0;
	v59 =	vld [tilespmem:s20+$0x1C700]  }
0x10d: {  	s0 =	sor.u32 $0xB0, s0;
	v60 =	vld [tilespmem:s22+$0x1C700]  }
0x10e: {  	v10 =	vsub.f32 v11, v10;
	v6 =	vsub.f32 v13, v6;
	v17 =	vld [tilespmem:s0+$0x1C700]  }
0x10f: {  	v14 =	vld.idx.msk [tilespmem:v14+s3+$0x0], $0xffff  }
0x110: {  	v10 =	vmul.f32 v10, v10;
	v6 =	vmul.f32 v6, v6  }
0x111: {  	v5 =	vsub.f32 v12, v5;
	v4 =	vsub.f32 v15, v4  }
0x112: {  	v3 =	vadd.f32 v10, v3;
	v2 =	vadd.f32 v6, v2  }
0x113: {  	s26 =	simm.s32 $0x0;
	v5 =	vmul.f32 v5, v5;
	v8 =	vsub.f32 v59, v8;
	v9 =	vsub.f32 v60, v9  }
0x114: {  	s29 =	rddreg [dreg:$0x9];
	s30 =	simm.s32 $0x80;
	s31 =	simm.s32 $0x400;
	v4 =	vmul.f32 v4, v4;
	v7 =	vsub.f32 v17, v7;
	v61 =	vsub.f32 v16, v14  }
0x115: {  	[tilespmem:s26], [sflag:$0x1] =	stream.strided.gather [hbm4b:s29+s30], $0x18700, s31, s30, $0x38;
	v5 =	vadd.f32 v5, v1;
	v62 =	vmul.f32 v8, v8;
	v63 =	vmul.f32 v9, v9;
	[tilespmem:$0x1EB80] =	vst v63  }
0x116: {  	_ =	swait.ge [sflag:s24], $0x18700;
	v4 =	vadd.f32 v4, v0;
	v7 =	vmul.f32 v7, v7;
	v1 =	vmul.f32 v61, v61  }
0x117: {  	s4 =	sadd.s32 $0x0, s13;
	s2 =	simm.s32 $0x1C880;
	[sflag:s24] =	ssyncset.done $0x0;
	v0 =	vadd.f32 v62, v2;
	v2 =	vadd.f32 v63, v5  }
0x118: {  	s0 =	simm.s32 $0x1C780;
	s1 =	simm.s32 $0x80;
	[sflag:s24] =	ssyncadd.s32 $0xFFFE7900;
	v1 =	vadd.f32 v1, v3;
	v3 =	vadd.f32 v7, v4  }
.LBB2_20:
0x119: {  	[tilespmem:s0], [sflag:$0x3] =	stream.linear.gather [hbm4b:s4+s3], $0x80, $0x38;
	[tilespmem:$0x1EB80] =	vst v63  }
0x11a: {  	s4 =	smov.u32 s1;
	s0 =	smov.u32 s2;
	p0 =	sne.s32 s1, $0xF80  }
.Ltmp9:
0x11b: {  	s1 =	sadd.s32 $0x80, s1;
	(pc) =	sbr.rel @p0 .LBB2_20-.Ltmp9, $2  }
0x11c: {  	_ =	sdelay $0x2  }
0x11d: {  	s2 =	sadd.s32 $0x100, s2;
	s4 =	sadd.s32 s4, s13  }
0x11e: {  	[tilespmem:s0], [sflag:$0x3] =	stream.linear.gather [hbm4b:s4+s3], $0x80, $0x38;
	[tilespmem:$0x1EB80] =	vst v63  }
0x11f: {  	s26 =	simm.s32 $0x0;
	s12 =	simm.s32 $0x18700;
	_ =	swait.ge [sflag:s25], $0x1000  }
0x120: {  	s1 =	sand.u32 $0x40, s26;
	s2 =	sand.u32 $0xF80, s26;
	[sflag:s25] =	ssyncset.done $0x0  }
0x121: {  	s2 =	sadd.s32 $0x18700, s2;
	s5 =	sor.u32 $0x30, s1;
	[sflag:s25] =	ssyncadd.s32 $0xFFFFF000  }
0x122: {  	s6 =	sor.u32 $0x10, s1;
	s4 =	sor.u32 $0x20, s1;
	s19 =	sor.u32 s5, s2;
	v4 =	vld [tilespmem:s12+$0x0]  }
0x123: {  	v5 =	vld [tilespmem:s19+$0x0];
	s12 =	sor.u32 s6, s2;
	s2 =	sor.u32 s4, s2  }
0x124: {  	s20 =	simm.s32 $0x18740;
	s0 =	sand.u32 $0x1F00, s26;
	v7 =	vld [tilespmem:s2+$0x0]  }
0x125: {  	s22 =	simm.s32 $0x40;
	s0 =	sadd.s32 $0x1C700, s0;
	v11 =	vld [tilespmem:s20+$0x0]  }
0x126: {  	s5 =	sor.u32 s5, s0;
	v6 =	vld [tilespmem:s12+$0x0];
	s12 =	sand.u32 $0x40, s22;
	s2 =	sand.u32 $0xF80, s22  }
0x127: {  	s1 =	sor.u32 s1, s0;
	v9 =	vld [tilespmem:s5+$0x0];
	s2 =	sadd.s32 $0x18700, s2;
	s19 =	sor.u32 $0x10, s12  }
0x128: {  	v14 =	vld [tilespmem:s1+$0x0];
	s22 =	sor.u32 s19, s2  }
0x129: {  	v8 =	vld [tilespmem:s22+$0x0]  }
0x12a: {  	v12 =	vld.idx.msk [tilespmem:v4+s3+$0x0], $0xffff  }
0x12b: {  	s5 =	sor.u32 $0x30, s12;
	v5 =	vld.idx.msk [tilespmem:v5+s3+$0x0], $0xffff  }
0x12c: {  	s20 =	sor.u32 s5, s2;
	v4 =	vld.idx.msk [tilespmem:v7+s3+$0x0], $0xffff  }
0x12d: {  	s29 =	sor.u32 $0x20, s12;
	v7 =	vld [tilespmem:s20+$0x0]  }
0x12e: {  	s2 =	sor.u32 s29, s2;
	v13 =	vld.idx.msk [tilespmem:v6+s3+$0x0], $0xffff  }
0x12f: {  	s26 =	sor.u32 s6, s0;
	v6 =	vld [tilespmem:s2+$0x0]  }
0x130: {  	s30 =	simm.s32 $0x80;
	s6 =	sor.u32 s4, s0;
	v15 =	vld [tilespmem:s26+$0x0]  }
0x131: {  	s0 =	simm.s32 $0x18780;
	s20 =	sand.u32 $0x1F00, s30;
	v5 =	vsub.f32 v9, v5;
	v9 =	vld [tilespmem:s6+$0x0]  }
0x132: {  	v10 =	vld [tilespmem:s0+$0x0];
	s26 =	sadd.s32 $0x1C700, s20  }
0x133: {  	s22 =	simm.s32 $0x80;
	s5 =	sor.u32 s5, s26;
	v16 =	vmul.f32 v5, v5;
	v5 =	vld.idx.msk [tilespmem:v11+s3+$0x0], $0xffff  }
0x134: {  	s31 =	sand.u32 $0x40, s22;
	s4 =	sand.u32 $0xF80, s22;
	v12 =	vsub.f32 v14, v12;
	v11 =	vld [tilespmem:s5+$0x0]  }
0x135: {  	s22 =	simm.s32 $0xC0;
	s2 =	sor.u32 s12, s26;
	s1 =	sor.u32 s19, s26;
	v13 =	vsub.f32 v15, v13;
	v3 =	vadd.f32 v16, v3;
	v7 =	vld.idx.msk [tilespmem:v7+s3+$0x0], $0xffff  }
.LBB2_22:
0x136: {  	p0 =	sne.s32 s22, $0xFC0;
	s4 =	sadd.s32 $0x18700, s4;
	s5 =	sor.u32 $0x30, s31;
	v14 =	vld.idx.msk [tilespmem:v8+s3+$0x0], $0xffff;
	v8 =	vmul.f32 v12, v12;
	v9 =	vsub.f32 v9, v4  }
0x137: {  	s6 =	sor.u32 $0x10, s31;
	s12 =	sor.u32 $0x20, s31;
	s19 =	sor.u32 s5, s4;
	v4 =	vld.idx.msk [tilespmem:v6+s3+$0x0], $0xffff;
	v6 =	vmul.f32 v13, v13;
	v12 =	vmov v10  }
0x138: {  	s20 =	sor.u32 s6, s4;
	s4 =	sor.u32 s12, s4;
	v13 =	vld [tilespmem:s19+$0x0];
	s19 =	sor.u32 s29, s26;
	v1 =	vadd.f32 v8, v1;
	v9 =	vmul.f32 v9, v9  }
0x139: {  	v15 =	vmov v5;
	s29 =	smov.u32 s12;
	v8 =	vld [tilespmem:s20+$0x0];
	v0 =	vadd.f32 v6, v0  }
0x13a: {  	v6 =	vld [tilespmem:s4+$0x0];
	v5 =	vsub.f32 v11, v7;
	v2 =	vadd.f32 v9, v2  }
0x13b: {  	v11 =	vld [tilespmem:s2+$0x0]  }
0x13c: {  	v16 =	vld [tilespmem:s1+$0x0];
	v5 =	vmul.f32 v5, v5  }
.Ltmp10:
0x13d: {  	s0 =	sadd.s32 $0x40, s0;
	s30 =	sadd.s32 $0x80, s30;
	v9 =	vld [tilespmem:s19+$0x0];
	(pc) =	sbr.rel @p0 .LBB2_22-.Ltmp10, $4  }
0x13e: {  	s1 =	sand.u32 $0x1F00, s30;
	v10 =	vld [tilespmem:s0+$0x0];
	v3 =	vadd.f32 v5, v3  }
0x13f: {  	s26 =	sadd.s32 $0x1C700, s1;
	v5 =	vld.idx.msk [tilespmem:v12+s3+$0x0], $0xffff  }
0x140: {  	s2 =	sor.u32 s31, s26;
	s1 =	sor.u32 s6, s26;
	s5 =	sor.u32 s5, s26;
	v7 =	vld.idx.msk [tilespmem:v13+s3+$0x0], $0xffff;
	v12 =	vsub.f32 v11, v15  }
0x141: {  	s4 =	sand.u32 $0xF80, s22;
	s31 =	sand.u32 $0x40, s22;
	s22 =	sadd.s32 $0x40, s22;
	v11 =	vld [tilespmem:s5+$0x0];
	v13 =	vsub.f32 v16, v14  }
0x142: {  	_ =	sdelay $0x3  }
0x143: {  	v8 =	vld.idx.msk [tilespmem:v8+s3+$0x0], $0xffff  }
0x144: {  	v6 =	vld.idx.msk [tilespmem:v6+s3+$0x0], $0xffff  }
0x145: {  	v17 =	vld [tilespmem:s2+$0x0]  }
0x146: {  	s0 =	sadd.s32 $0x18700, s4;
	s4 =	sor.u32 $0x30, s31;
	s20 =	sor.u32 s29, s26;
	v18 =	vld [tilespmem:s1+$0x0]  }
0x147: {  	s6 =	sor.u32 $0x10, s31;
	s5 =	sor.u32 s4, s0;
	v19 =	vld [tilespmem:s20+$0x0]  }
0x148: {  	s19 =	sor.u32 $0x20, s31;
	s22 =	sadd.s32 $0x80, s30;
	s12 =	sor.u32 s6, s0;
	v14 =	vld [tilespmem:s5+$0x0]  }
0x149: {  	s0 =	sor.u32 s19, s0;
	s26 =	sand.u32 $0x1F00, s22;
	v15 =	vld [tilespmem:s12+$0x0]  }
0x14a: {  	v16 =	vld [tilespmem:s0+$0x0];
	s0 =	sadd.s32 $0x1C700, s26  }
0x14b: {  	v10 =	vld.idx.msk [tilespmem:v10+s3+$0x0], $0xffff;
	s29 =	sor.u32 s4, s0  }
0x14c: {  	s30 =	sor.u32 s31, s0;
	v20 =	vld [tilespmem:s29+$0x0]  }
0x14d: {  	s31 =	sor.u32 s6, s0;
	v57 =	vld [tilespmem:s30+$0x0]  }
0x14e: {  	s0 =	sor.u32 s19, s0;
	v58 =	vld [tilespmem:s31+$0x0]  }
0x14f: {  	v4 =	vsub.f32 v9, v4;
	v59 =	vld [tilespmem:s0+$0x0]  }
0x150: {  	v12 =	vmul.f32 v12, v12;
	v13 =	vmul.f32 v13, v13;
	v14 =	vld.idx.msk [tilespmem:v14+s3+$0x0], $0xffff  }
0x151: {  	v4 =	vmul.f32 v4, v4;
	v7 =	vsub.f32 v11, v7;
	v5 =	vsub.f32 v17, v5;
	v15 =	vld.idx.msk [tilespmem:v15+s3+$0x0], $0xffff  }
0x152: {  	v1 =	vadd.f32 v12, v1;
	v0 =	vadd.f32 v13, v0;
	v56 =	vld.idx.msk [tilespmem:v16+s3+$0x0], $0xffff  }
0x153: {  	v2 =	vadd.f32 v4, v2;
	v7 =	vmul.f32 v7, v7;
	v4 =	vmul.f32 v5, v5  }
0x154: {  	v6 =	vsub.f32 v19, v6;
	v5 =	vsub.f32 v18, v8  }
0x155: {  	v3 =	vadd.f32 v7, v3;
	v1 =	vadd.f32 v4, v1  }
0x156: {  	v4 =	vmul.f32 v5, v5;
	v60 =	vsub.f32 v57, v10;
	v5 =	vsub.f32 v20, v14  }
0x157: {  	v6 =	vmul.f32 v6, v6;
	v61 =	vsub.f32 v58, v15;
	v9 =	vsub.f32 v59, v56  }
0x158: {  	v4 =	vadd.f32 v4, v0;
	v0 =	vmul.f32 v5, v5;
	v5 =	vmul.f32 v60, v60  }
0x159: {  	v6 =	vadd.f32 v6, v2;
	v62 =	vmul.f32 v61, v61;
	v63 =	vmul.f32 v9, v9  }
0x15a: {  	s1 =	simm.s32 $0x80;
	v0 =	vadd.f32 v0, v3;
	v2 =	vadd.f32 v5, v1  }
0x15b: {  	s2 =	simm.s32 $0x1C800;
	s4 =	sadd.s32 $0x0, s14;
	s0 =	simm.s32 $0x1C700;
	v3 =	vadd.f32 v62, v4;
	v1 =	vadd.f32 v63, v6  }
.LBB2_24:
0x15c: {  	[tilespmem:s0], [sflag:$0x3] =	stream.linear.gather [hbm4b:s4+s3], $0x80, $0x38;
	[tilespmem:$0x1EB80] =	vst v63  }
0x15d: {  	s4 =	smov.u32 s1;
	s0 =	smov.u32 s2;
	p0 =	sne.s32 s1, $0xF80  }
.Ltmp11:
0x15e: {  	s1 =	sadd.s32 $0x80, s1;
	(pc) =	sbr.rel @p0 .LBB2_24-.Ltmp11, $2  }
0x15f: {  	_ =	sdelay $0x2  }
0x160: {  	s2 =	sadd.s32 $0x100, s2;
	s4 =	sadd.s32 s4, s14  }
0x161: {  	[tilespmem:s0], [sflag:$0x3] =	stream.linear.gather [hbm4b:s4+s3], $0x80, $0x38;
	[tilespmem:$0x1EB80] =	vst v63  }
0x162: {  	_ =	swait.ge [sflag:s25], $0x1000  }
0x163: {  	[sflag:s25] =	ssyncset.done $0x0  }
0x164: {  	s26 =	simm.s32 $0x19730;
	[sflag:s25] =	ssyncadd.s32 $0xFFFFF000  }
0x165: {  	s29 =	simm.s32 $0x0;
	v4 =	vld [tilespmem:s26+$0xFFFFFFE0]  }
0x166: {  	s30 =	sand.u32 $0xFC0, s29;
	v10 =	vld [tilespmem:s26+$0x0]  }
0x167: {  	p0 =	por $0x0, $0x0;
	s1 =	simm.s32 $0x1;
	v11 =	vld [tilespmem:s30+$0x19700]  }
0x168: {  	s0 =	simm.s32 $0x19770;
	s1 =	simm.s32 @!p0 $0x0;
	v5 =	vld [tilespmem:s26+$0xFFFFFFF0]  }
0x169: {  	s1 =	sshll.u32 s1, $0x6;
	v8 =	vld [tilespmem:s0+$0xFFFFFFE0]  }
0x16a: {  	s1 =	sadd.s32 $0x0, s1;
	v9 =	vld [tilespmem:s0+$0xFFFFFFF0]  }
0x16b: {  	v7 =	vld [tilespmem:s0+$0x0];
	s31 =	sor.u32 $0x90, s1  }
0x16c: {  	v13 =	vld [tilespmem:s31+$0x1C700]  }
0x16d: {  	v6 =	vld.idx.msk [tilespmem:v4+s3+$0x0], $0xffff  }
0x16e: {  	v4 =	vld.idx.msk [tilespmem:v10+s3+$0x0], $0xffff  }
0x16f: {  	s2 =	sor.u32 $0x80, s1;
	v10 =	vld.idx.msk [tilespmem:v11+s3+$0x0], $0xffff  }
0x170: {  	s6 =	sor.u32 $0xA0, s1;
	v11 =	vld [tilespmem:s2+$0x1C700]  }
0x171: {  	s5 =	simm.s32 $0x40;
	v12 =	vld [tilespmem:s6+$0x1C700]  }
0x172: {  	s4 =	sand.u32 $0xFC0, s5;
	v5 =	vld.idx.msk [tilespmem:v5+s3+$0x0], $0xffff;
	s2 =	sor.u32 $0xB0, s1;
	s1 =	simm.s32 $0x80  }
.LBB2_26:
0x173: {  	p1 =	sne.s32 s1, $0xFC0;
	v14 =	vld [tilespmem:s4+$0x19700]  }
0x174: {  	s0 =	sadd.s32 $0x40, s0;
	v15 =	vld [tilespmem:s2+$0x1C700]  }
0x175: {  	v16 =	vld [tilespmem:s0+$0xFFFFFFE0];
	v10 =	vsub.f32 v11, v10  }
0x176: {  	v11 =	vld [tilespmem:s0+$0xFFFFFFF0];
	v13 =	vsub.f32 v13, v6  }
0x177: {  	p0 =	por !p0, !p0;
	s2 =	simm.s32 $0x1;
	v17 =	vld [tilespmem:s0+$0x0];
	v10 =	vmul.f32 v10, v10;
	v12 =	vsub.f32 v12, v5  }
0x178: {  	s2 =	simm.s32 @!p0 $0x0;
	v6 =	vld.idx.msk [tilespmem:v8+s3+$0x0], $0xffff;
	v13 =	vmul.f32 v13, v13  }
0x179: {  	s29 =	sadd.s32 $0x80, s29;
	s2 =	sshll.u32 s2, $0x6;
	v5 =	vld.idx.msk [tilespmem:v9+s3+$0x0], $0xffff;
	v2 =	vadd.f32 v10, v2;
	v18 =	vmul.f32 v12, v12;
	v12 =	vsub.f32 v15, v4  }
.Ltmp12:
0x17a: {  	s2 =	sadd.s32 s2, s29;
	v4 =	vld.idx.msk [tilespmem:v7+s3+$0x0], $0xffff;
	v3 =	vadd.f32 v13, v3;
	v8 =	vmov v16;
	(pc) =	sbr.rel @p1 .LBB2_26-.Ltmp12, $4  }
0x17b: {  	s4 =	sor.u32 $0x80, s2;
	s5 =	sor.u32 $0x90, s2;
	s6 =	sor.u32 $0xA0, s2;
	v10 =	vld.idx.msk [tilespmem:v14+s3+$0x0], $0xffff;
	v1 =	vadd.f32 v18, v1;
	v12 =	vmul.f32 v12, v12;
	v9 =	vmov v11  }
0x17c: {  	s2 =	sor.u32 $0xB0, s2;
	v11 =	vld [tilespmem:s4+$0x1C700];
	v7 =	vmov v17  }
0x17d: {  	v13 =	vld [tilespmem:s5+$0x1C700];
	v0 =	vadd.f32 v12, v0  }
0x17e: {  	s4 =	sand.u32 $0xFC0, s1;
	s1 =	sadd.s32 $0x40, s1;
	v12 =	vld [tilespmem:s6+$0x1C700]  }
0x17f: {  	_ =	sdelay $0x1  }
0x180: {  	v14 =	vld [tilespmem:s4+$0x19700];
	p0 =	por !p0, !p0;
	s0 =	simm.s32 $0x1  }
0x181: {  	v15 =	vld [tilespmem:s2+$0x1C700];
	s0 =	simm.s32 @!p0 $0x0  }
0x182: {  	v8 =	vld.idx.msk [tilespmem:v8+s3+$0x0], $0xffff;
	s1 =	sadd.s32 $0x80, s29;
	s0 =	sshll.u32 s0, $0x6  }
0x183: {  	v9 =	vld.idx.msk [tilespmem:v9+s3+$0x0], $0xffff;
	s0 =	sadd.s32 s0, s1  }
0x184: {  	v7 =	vld.idx.msk [tilespmem:v7+s3+$0x0], $0xffff;
	s1 =	sor.u32 $0x80, s0  }
0x185: {  	s30 =	sor.u32 $0x90, s0;
	v16 =	vld [tilespmem:s1+$0x1C700]  }
0x186: {  	v6 =	vsub.f32 v13, v6;
	s31 =	sor.u32 $0xA0, s0;
	v62 =	vld [tilespmem:s30+$0x1C700]  }
0x187: {  	s0 =	sor.u32 $0xB0, s0;
	v63 =	vld [tilespmem:s31+$0x1C700]  }
0x188: {  	v5 =	vsub.f32 v12, v5;
	v17 =	vld [tilespmem:s0+$0x1C700];
	v6 =	vmul.f32 v6, v6  }
0x189: {  	v14 =	vld.idx.msk [tilespmem:v14+s3+$0x0], $0xffff  }
0x18a: {  	v6 =	vadd.f32 v6, v3;
	v3 =	vmul.f32 v5, v5  }
0x18b: {  	v4 =	vsub.f32 v15, v4  }
0x18c: {  	v10 =	vsub.f32 v11, v10;
	v1 =	vadd.f32 v3, v1  }
0x18d: {  	v4 =	vmul.f32 v4, v4;
	v9 =	vsub.f32 v63, v9;
	v7 =	vsub.f32 v17, v7  }
0x18e: {  	v10 =	vmul.f32 v10, v10;
	v8 =	vsub.f32 v62, v8;
	v5 =	vsub.f32 v16, v14  }
0x18f: {  	v0 =	vadd.f32 v4, v0;
	v4 =	vmul.f32 v9, v9;
	v7 =	vmul.f32 v7, v7  }
0x190: {  	v2 =	vadd.f32 v10, v2;
	v3 =	vmul.f32 v5, v5;
	v5 =	vmul.f32 v8, v8  }
0x191: {  	s4 =	sadd.s32 $0x0, s15;
	v1 =	vadd.f32 v4, v1;
	v0 =	vadd.f32 v7, v0  }
0x192: {  	s2 =	simm.s32 $0x1C880;
	s0 =	simm.s32 $0x1C780;
	s1 =	simm.s32 $0x80;
	v3 =	vadd.f32 v3, v2;
	v2 =	vadd.f32 v5, v6  }
.LBB2_28:
0x193: {  	[tilespmem:s0], [sflag:$0x3] =	stream.linear.gather [hbm4b:s4+s3], $0x80, $0x38;
	[tilespmem:$0x1EB80] =	vst v63  }
0x194: {  	s4 =	smov.u32 s1;
	s0 =	smov.u32 s2;
	p0 =	sne.s32 s1, $0xF80  }
.Ltmp13:
0x195: {  	s1 =	sadd.s32 $0x80, s1;
	(pc) =	sbr.rel @p0 .LBB2_28-.Ltmp13, $2  }
0x196: {  	_ =	sdelay $0x2  }
0x197: {  	s2 =	sadd.s32 $0x100, s2;
	s4 =	sadd.s32 s4, s15  }
0x198: {  	[tilespmem:s0], [sflag:$0x3] =	stream.linear.gather [hbm4b:s4+s3], $0x80, $0x38;
	[tilespmem:$0x1EB80] =	vst v63  }
0x199: {  	_ =	swait.ge [sflag:s25], $0x1000  }
0x19a: {  	[sflag:s25] =	ssyncset.done $0x0  }
0x19b: {  	s1 =	simm.s32 $0x1A730;
	[sflag:s25] =	ssyncadd.s32 $0xFFFFF000  }
0x19c: {  	v4 =	vld [tilespmem:s1+$0xFFFFFFE0]  }
0x19d: {  	s0 =	simm.s32 $0x0;
	v5 =	vld [tilespmem:s1+$0xFFFFFFF0]  }
0x19e: {  	s30 =	sand.u32 $0xFC0, s0;
	s2 =	sand.u32 $0x40, s0;
	s31 =	sand.u32 $0x1F00, s0;
	v8 =	vld [tilespmem:s1+$0x0]  }
0x19f: {  	s2 =	sor.u32 s2, s31;
	v11 =	vld [tilespmem:s30+$0x1A700]  }
0x1a0: {  	s26 =	sadd.s32 $0x1C700, s2;
	v12 =	vld [tilespmem:s2+$0x1C700]  }
0x1a1: {  	s1 =	simm.s32 $0x1A770;
	v13 =	vld [tilespmem:s26+$0x10]  }
0x1a2: {  	v9 =	vld [tilespmem:s1+$0xFFFFFFE0]  }
0x1a3: {  	v10 =	vld [tilespmem:s1+$0xFFFFFFF0]  }
0x1a4: {  	v7 =	vld [tilespmem:s1+$0x0]  }
0x1a5: {  	v6 =	vld.idx.msk [tilespmem:v4+s3+$0x0], $0xffff  }
0x1a6: {  	v4 =	vld.idx.msk [tilespmem:v8+s3+$0x0], $0xffff  }
0x1a7: {  	v8 =	vld.idx.msk [tilespmem:v11+s3+$0x0], $0xffff  }
0x1a8: {  	s22 =	simm.s32 $0x40;
	v5 =	vld.idx.msk [tilespmem:v5+s3+$0x0], $0xffff  }
0x1a9: {  	s4 =	sand.u32 $0xFC0, s22;
	s2 =	simm.s32 $0x80;
	v11 =	vld [tilespmem:s26+$0x20]  }
.LBB2_30:
0x1aa: {  	p0 =	sne.s32 s2, $0xFC0;
	v14 =	vld [tilespmem:s4+$0x1A700]  }
0x1ab: {  	s1 =	sadd.s32 $0x40, s1;
	v15 =	vld [tilespmem:s26+$0x30]  }
0x1ac: {  	v16 =	vld [tilespmem:s1+$0xFFFFFFE0];
	v8 =	vsub.f32 v12, v8  }
0x1ad: {  	v12 =	vld [tilespmem:s1+$0xFFFFFFF0];
	v13 =	vsub.f32 v13, v6  }
0x1ae: {  	v17 =	vld [tilespmem:s1+$0x0];
	v8 =	vmul.f32 v8, v8;
	v11 =	vsub.f32 v11, v5  }
0x1af: {  	v6 =	vld.idx.msk [tilespmem:v9+s3+$0x0], $0xffff;
	v13 =	vmul.f32 v13, v13  }
0x1b0: {  	s0 =	sadd.s32 $0x80, s0;
	v5 =	vld.idx.msk [tilespmem:v10+s3+$0x0], $0xffff;
	v3 =	vadd.f32 v8, v3;
	v18 =	vmul.f32 v11, v11;
	v11 =	vsub.f32 v15, v4  }
.Ltmp14:
0x1b1: {  	s4 =	sand.u32 $0x40, s22;
	s5 =	sand.u32 $0x1F00, s0;
	v4 =	vld.idx.msk [tilespmem:v7+s3+$0x0], $0xffff;
	v2 =	vadd.f32 v13, v2;
	v9 =	vmov v16;
	(pc) =	sbr.rel @p0 .LBB2_30-.Ltmp14, $4  }
0x1b2: {  	s22 =	smov.u32 s2;
	s4 =	sor.u32 s4, s5;
	v8 =	vld.idx.msk [tilespmem:v14+s3+$0x0], $0xffff;
	v1 =	vadd.f32 v18, v1;
	v11 =	vmul.f32 v11, v11;
	v10 =	vmov v12  }
0x1b3: {  	s26 =	sadd.s32 $0x1C700, s4;
	v12 =	vld [tilespmem:s4+$0x1C700];
	v7 =	vmov v17  }
0x1b4: {  	v13 =	vld [tilespmem:s26+$0x10];
	v0 =	vadd.f32 v11, v0  }
0x1b5: {  	s2 =	sadd.s32 $0x40, s2;
	s4 =	sand.u32 $0xFC0, s22;
	v11 =	vld [tilespmem:s26+$0x20]  }
0x1b6: {  	_ =	sdelay $0x1  }
0x1b7: {  	v14 =	vld [tilespmem:s4+$0x1A700]  }
0x1b8: {  	v15 =	vld [tilespmem:s26+$0x30]  }
0x1b9: {  	v16 =	vld.idx.msk [tilespmem:v9+s3+$0x0], $0xffff;
	s0 =	sadd.s32 $0x80, s0  }
0x1ba: {  	v10 =	vld.idx.msk [tilespmem:v10+s3+$0x0], $0xffff;
	s1 =	sand.u32 $0x40, s22;
	s0 =	sand.u32 $0x1F00, s0  }
0x1bb: {  	v17 =	vld.idx.msk [tilespmem:v7+s3+$0x0], $0xffff;
	s0 =	sor.u32 s1, s0  }
0x1bc: {  	s1 =	sadd.s32 $0x1C700, s0;
	v18 =	vld [tilespmem:s0+$0x1C700]  }
0x1bd: {  	v19 =	vld [tilespmem:s1+$0x10]  }
0x1be: {  	v20 =	vld [tilespmem:s1+$0x20]  }
0x1bf: {  	v21 =	vld [tilespmem:s1+$0x30]  }
0x1c0: {  	v14 =	vld.idx.msk [tilespmem:v14+s3+$0x0], $0xffff;
	_ =	swait.ge [sflag:s25], $0x1000  }
0x1c1: {  	[sflag:s25] =	ssyncset.done $0x0  }
0x1c2: {  	s20 =	simm.s32 $0x1B730;
	[sflag:s25] =	ssyncadd.s32 $0xFFFFF000  }
0x1c3: {  	v6 =	vsub.f32 v13, v6;
	v22 =	vld [tilespmem:s20+$0xFFFFFFE0]  }
0x1c4: {  	s29 =	simm.s32 $0x0;
	v7 =	vsub.f32 v12, v8;
	v23 =	vld [tilespmem:s20+$0xFFFFFFF0]  }
0x1c5: {  	p0 =	por $0x0, $0x0;
	s22 =	sand.u32 $0xFC0, s29;
	s0 =	simm.s32 $0x1;
	v5 =	vsub.f32 v11, v5;
	v6 =	vmul.f32 v6, v6;
	v24 =	vld [tilespmem:s20+$0x0]  }
0x1c6: {  	s30 =	simm.s32 $0x1B770;
	v8 =	vmul.f32 v7, v7;
	s0 =	simm.s32 @!p0 $0x0;
	v11 =	vsub.f32 v15, v4;
	v12 =	vld [tilespmem:s22+$0x1B700]  }
0x1c7: {  	s0 =	sshll.u32 s0, $0x6;
	v5 =	vmul.f32 v5, v5;
	v15 =	vadd.f32 v6, v2;
	v7 =	vld [tilespmem:s30+$0xFFFFFFE0];
	v6 =	vsub.f32 v18, v14  }
0x1c8: {  	s0 =	sadd.s32 $0x0, s0;
	v11 =	vmul.f32 v11, v11;
	v9 =	vld [tilespmem:s30+$0xFFFFFFF0]  }
0x1c9: {  	v13 =	vadd.f32 v8, v3;
	s26 =	sor.u32 $0x80, s0;
	v1 =	vadd.f32 v5, v1;
	v8 =	vld [tilespmem:s30+$0x0];
	v5 =	vmul.f32 v6, v6  }
0x1ca: {  	s5 =	sor.u32 $0xA0, s0;
	v0 =	vadd.f32 v11, v0;
	v11 =	vld [tilespmem:s26+$0x1C700]  }
0x1cb: {  	v17 =	vsub.f32 v21, v17;
	v6 =	vadd.f32 v5, v13;
	v13 =	vld [tilespmem:s5+$0x1C700]  }
0x1cc: {  	v63 =	vsub.f32 v20, v10;
	v14 =	vsub.f32 v19, v16;
	v4 =	vld.idx.msk [tilespmem:v22+s3+$0x0], $0xffff  }
0x1cd: {  	v17 =	vmul.f32 v17, v17;
	v3 =	vld.idx.msk [tilespmem:v23+s3+$0x0], $0xffff  }
0x1ce: {  	s2 =	sor.u32 $0x90, s0;
	v16 =	vmul.f32 v63, v63;
	v14 =	vmul.f32 v14, v14;
	v10 =	vld.idx.msk [tilespmem:v12+s3+$0x0], $0xffff  }
0x1cf: {  	s31 =	simm.s32 $0x40;
	v0 =	vadd.f32 v17, v0;
	v12 =	vld [tilespmem:s2+$0x1C700]  }
0x1d0: {  	s1 =	sor.u32 $0xB0, s0;
	s0 =	simm.s32 $0x80;
	v1 =	vadd.f32 v16, v1;
	v5 =	vadd.f32 v14, v15;
	v2 =	vld.idx.msk [tilespmem:v24+s3+$0x0], $0xffff;
	s2 =	sand.u32 $0xFC0, s31  }
.LBB2_32:
0x1d1: {  	p1 =	sne.s32 s0, $0xFC0;
	v14 =	vld [tilespmem:s2+$0x1B700]  }
0x1d2: {  	s30 =	sadd.s32 $0x40, s30;
	v15 =	vld [tilespmem:s1+$0x1C700]  }
0x1d3: {  	v16 =	vld [tilespmem:s30+$0xFFFFFFE0];
	v10 =	vsub.f32 v11, v10  }
0x1d4: {  	v11 =	vld [tilespmem:s30+$0xFFFFFFF0];
	v12 =	vsub.f32 v12, v4  }
0x1d5: {  	p0 =	por !p0, !p0;
	s1 =	simm.s32 $0x1;
	v17 =	vld [tilespmem:s30+$0x0];
	v10 =	vmul.f32 v10, v10;
	v13 =	vsub.f32 v13, v3  }
0x1d6: {  	s1 =	simm.s32 @!p0 $0x0;
	v4 =	vld.idx.msk [tilespmem:v7+s3+$0x0], $0xffff;
	v18 =	vmul.f32 v12, v12  }
0x1d7: {  	s29 =	sadd.s32 $0x80, s29;
	s1 =	sshll.u32 s1, $0x6;
	v3 =	vld.idx.msk [tilespmem:v9+s3+$0x0], $0xffff;
	v6 =	vadd.f32 v10, v6;
	v19 =	vmul.f32 v13, v13;
	v12 =	vsub.f32 v15, v2  }
.Ltmp15:
0x1d8: {  	s1 =	sadd.s32 s1, s29;
	v2 =	vld.idx.msk [tilespmem:v8+s3+$0x0], $0xffff;
	v5 =	vadd.f32 v18, v5;
	v7 =	vmov v16;
	(pc) =	sbr.rel @p1 .LBB2_32-.Ltmp15, $4  }
0x1d9: {  	s2 =	sor.u32 $0x80, s1;
	s4 =	sor.u32 $0x90, s1;
	s5 =	sor.u32 $0xA0, s1;
	v10 =	vld.idx.msk [tilespmem:v14+s3+$0x0], $0xffff;
	v1 =	vadd.f32 v19, v1;
	v13 =	vmul.f32 v12, v12;
	v9 =	vmov v11  }
0x1da: {  	s1 =	sor.u32 $0xB0, s1;
	v11 =	vld [tilespmem:s2+$0x1C700];
	v8 =	vmov v17  }
0x1db: {  	v12 =	vld [tilespmem:s4+$0x1C700];
	v0 =	vadd.f32 v13, v0  }
0x1dc: {  	s2 =	sand.u32 $0xFC0, s0;
	s0 =	sadd.s32 $0x40, s0;
	v13 =	vld [tilespmem:s5+$0x1C700]  }
0x1dd: {  	_ =	sdelay $0x1  }
0x1de: {  	v14 =	vld [tilespmem:s2+$0x1B700];
	p0 =	por !p0, !p0;
	s0 =	simm.s32 $0x1  }
0x1df: {  	v15 =	vld [tilespmem:s1+$0x1C700];
	s0 =	simm.s32 @!p0 $0x0  }
0x1e0: {  	v7 =	vld.idx.msk [tilespmem:v7+s3+$0x0], $0xffff;
	s26 =	sadd.s32 $0x80, s29;
	s0 =	sshll.u32 s0, $0x6  }
0x1e1: {  	v9 =	vld.idx.msk [tilespmem:v9+s3+$0x0], $0xffff;
	s0 =	sadd.s32 s0, s26  }
0x1e2: {  	v8 =	vld.idx.msk [tilespmem:v8+s3+$0x0], $0xffff;
	s1 =	sor.u32 $0x80, s0  }
0x1e3: {  	s29 =	sor.u32 $0x90, s0;
	v16 =	vld [tilespmem:s1+$0x1C700]  }
0x1e4: {  	s30 =	sor.u32 $0xA0, s0;
	v56 =	vld [tilespmem:s29+$0x1C700]  }
0x1e5: {  	s0 =	sor.u32 $0xB0, s0;
	v57 =	vld [tilespmem:s30+$0x1C700]  }
0x1e6: {  	v10 =	vsub.f32 v11, v10;
	v4 =	vsub.f32 v12, v4;
	v17 =	vld [tilespmem:s0+$0x1C700]  }
0x1e7: {  	v14 =	vld.idx.msk [tilespmem:v14+s3+$0x0], $0xffff  }
0x1e8: {  	v10 =	vmul.f32 v10, v10;
	v4 =	vmul.f32 v4, v4  }
0x1e9: {  	v3 =	vsub.f32 v13, v3;
	v2 =	vsub.f32 v15, v2  }
0x1ea: {  	v6 =	vadd.f32 v10, v6;
	v4 =	vadd.f32 v4, v5  }
0x1eb: {  	v3 =	vmul.f32 v3, v3;
	v7 =	vsub.f32 v56, v7;
	v9 =	vsub.f32 v57, v9  }
0x1ec: {  	v2 =	vmul.f32 v2, v2;
	v8 =	vsub.f32 v17, v8;
	v58 =	vsub.f32 v16, v14  }
0x1ed: {  	v1 =	vadd.f32 v3, v1;
	v60 =	vmul.f32 v7, v7;
	v61 =	vmul.f32 v9, v9  }
0x1ee: {  	v0 =	vadd.f32 v2, v0;
	v62 =	vmul.f32 v8, v8;
	v59 =	vmul.f32 v58, v58  }
0x1ef: {  	v4 =	vadd.f32 v60, v4;
	v1 =	vadd.f32 v61, v1  }
0x1f0: {  	v0 =	vadd.f32 v62, v0;
	v3 =	vadd.f32 v59, v6;
	_ =	sdelay $0x1  }
0x1f1: {  	v0 =	vadd.f32 v0, v1;
	v63 =	vadd.f32 v4, v3;
	_ =	sdelay $0x1  }
0x1f2: {  	s28 =	sadd.s32 $0x1, s28;
	v0 =	vadd.f32 v0, v63  }
0x1f3: {  	p0 =	sne.s32 s28, s17  }
.Ltmp16:
0x1f4: {  	s31 =	simm.s32 $0x1E700;
	[tilespmem:$0x1E700] =	vst v0;
	(pc) =	sbr.rel @p0 .LBB2_1-.Ltmp16, $4  }
0x1f5: {  	[hbm4b:s16+s3] =	stream.linear.scatter [tilespmem:s31], [sflag:$0x4], $0x10, $0x38;
	[tilespmem:$0x1EB80] =	vst v63  }
0x1f6: {  	_ =	swait.ge [sflag:s23], $0x10  }
0x1f7: {  	[sflag:s23] =	ssyncset.done $0x0  }
0x1f8: {  	[sflag:s23] =	ssyncadd.s32 $0xFFFFFFF0  }
0x1f9: {  	_ =	sfence.sel $0x180000  }
0x1fa: {  	[bflag:$0x0] =	sbarrier.arrive $0xFFFF  }
0x1fb: {  	_ =	strace $0x90000047  }
0x1fc: {  	s0 =	stileid.u32;
	[bflag:$0x2] =	sbarrier.arrive $0xFFFF  }
0x1fd: {  	p0 =	sne.s32 s0, $0x0;
	s0 =	rddreg [dreg:$0x5]  }
0x1fe: {  	s0 =	sadd.s32 @!p0 $0x100000, s0  }
0x1ff: {  	[sflag:s0] =	ssyncadd.tile.s32 @!p0 $0x1;
	_ =	shalt  }
.Lfunc_end2:
_tile_overlayer_lowered:
.L_overlay_start_2:
0x200: {  	(tag) =	ssettag $0x2  }
0x201: {  	s0 =	rddreg [dreg:$0x0];
	s2 =	stileid.u32  }
0x202: {  	s1 =	rddreg [dreg:$0x1];
	p0 =	sne.s32 s2, $0x0  }
0x203: {  	s3 =	rddreg [dreg:$0x2];
	[bflag:$0x3] =	sbarrier.arrive $0xFFFF;
	s2 =	simm.s32 @!p0 $0x1C04  }
0x204: {  	[timem:s3], [sflag:s2] =	dma.local @!p0 [hbm:s0], s1  }
0x205: {  	s0 =	simm.s32 @!p0 $0x4  }
0x206: {  	_ =	swait.ge @!p0 [sflag:s0], s1  }
0x207: {  	s1 =	ssub.s32 @!p0 $0x0, s1;
	[sflag:s0] =	ssyncset.done @!p0 $0x0  }
0x208: {  	[sflag:s0] =	ssyncadd.s32 @!p0 s1  }
0x209: {  	[bflag:$0x3] =	sbarrier.arrive $0xFFFF  }
0x20a: {  	_ =	shalt  }

</sc_bundles>
